<compile_context>
chip_gen: v7x
topology: tpu7x:2x2x1
jax: 0.10.2.dev20260603
libtpu: 0.0.44.dev20260713+nightly
codegen_flags: <defaults>
</compile_context>

<pallas_src>
import functools

import jax
import jax.numpy as jnp
from jax import lax
from jax.experimental import pallas as pl
from jax.experimental.pallas import tpu as pltpu
from jax.experimental.pallas import tpu_sc as plsc

M_ROWS = 1_000_000
C = 128
B = 16384

NC = 2
NS = 16
L = 16
NW = NC * NS
B_PER_W = B // NW
CHUNK = 64
CHUNKS = tuple((o, CHUNK) for o in range(0, B_PER_W, CHUNK))
NBUF = 6
C_VECS = C // L

_mesh = plsc.VectorSubcoreMesh(
    core_axis_name="c", subcore_axis_name="s", num_cores=NC, num_subcores=NS
)


@functools.partial(
    pl.kernel,
    out_type=jax.ShapeDtypeStruct((NW, L), jnp.float32),
    mesh=_mesh,
    compiler_params=pltpu.CompilerParams(
        needs_layout_passes=False,
        disable_bounds_checks=True,
        disable_semaphore_checks=True,
        skip_device_barrier=True,
    ),
    scratch_types=[
        pltpu.VMEM((B_PER_W,), jnp.int32),
        pltpu.VMEM((NBUF, CHUNK, C), jnp.float32),
        pltpu.VMEM((NBUF, CHUNK, C), jnp.float32),
        pltpu.VMEM((L,), jnp.float32),
    ] + [pltpu.SemaphoreType.DMA] * (2 * NBUF),
)
def _sc_gather_dot(outputs_hbm, idx_hbm, conf_hbm, out_hbm,
                   idx_v, rows_v, outs_v, acc_v, *sems):
    wid = lax.axis_index("s") * NC + lax.axis_index("c")
    base = wid * B_PER_W
    gsems = sems[:NBUF]
    osems = sems[NBUF:]

    pltpu.sync_copy(idx_hbm.at[pl.ds(base, B_PER_W)], idx_v)

    def start(g):
        slot = g % NBUF
        off, rows = CHUNKS[g]
        gather = pltpu.async_copy(
            conf_hbm.at[idx_v.at[pl.ds(off, rows)]],
            rows_v.at[slot].at[pl.ds(0, rows)],
            gsems[slot])
        ocopy = pltpu.async_copy(
            outputs_hbm.at[pl.ds(base + off, rows)],
            outs_v.at[slot].at[pl.ds(0, rows)],
            osems[slot])
        return gather, ocopy

    pending = {g: start(g) for g in range(NBUF)}

    accs = tuple(jnp.zeros((L,), jnp.float32) for _ in range(C_VECS))
    for g in range(len(CHUNKS)):
        slot = g % NBUF
        rows = CHUNKS[g][1]
        gather, ocopy = pending.pop(g)
        gather.wait()
        ocopy.wait()

        def body(r, accs, slot=slot):
            return tuple(
                accs[cc]
                + rows_v[slot, r, pl.ds(cc * L, L)]
                * outs_v[slot, r, pl.ds(cc * L, L)]
                for cc in range(C_VECS)
            )
        accs = lax.fori_loop(0, rows, body, accs)
        if g + NBUF < len(CHUNKS):
            pending[g + NBUF] = start(g + NBUF)

    total = accs[0]
    for cc in range(1, C_VECS):
        total = total + accs[cc]
    acc_v[...] = total
    pltpu.sync_copy(acc_v, out_hbm.at[wid])


TC_BLOCK = 8192
N_TC_BLOCKS = B // TC_BLOCK


def _tc_body(x_ref, out_ref):
    i = pl.program_id(0)
    x = x_ref[...]
    s = jnp.sum(jnp.maximum(x, 0.0) + jnp.log1p(jnp.exp(-jnp.abs(x))))

    @pl.when(i == 0)
    def _init():
        out_ref[0, 0] = 0.0

    out_ref[0, 0] += s


_tc_dense = pl.pallas_call(
    _tc_body,
    grid=(N_TC_BLOCKS,),
    in_specs=[pl.BlockSpec((TC_BLOCK, C), lambda i: (i, 0))],
    out_specs=pl.BlockSpec(memory_space=pltpu.SMEM),
    out_shape=jax.ShapeDtypeStruct((1, 1), jnp.float32),
)


def _tc_combine_body(dense_ref, part_ref, out_ref):
    out_ref[0, 0] = (dense_ref[0, 0] - jnp.sum(part_ref[...])) * (1.0 / (B * C))


_tc_combine = pl.pallas_call(
    _tc_combine_body,
    in_specs=[
        pl.BlockSpec(memory_space=pltpu.SMEM),
        pl.BlockSpec((NW, L), lambda: (0, 0)),
    ],
    out_specs=pl.BlockSpec(memory_space=pltpu.SMEM),
    out_shape=jax.ShapeDtypeStruct((1, 1), jnp.float32),
)


def kernel(outputs, index, confidence):
    partials = _sc_gather_dot(outputs, index, confidence)
    dense = _tc_dense(outputs)
    return _tc_combine(dense, partials)[0, 0]

# --- scband reference (transcript-rebuilt; emitter-appended) ---
"""Pipeline reference for scband-partial-loss-20143396619222 (READ-ONLY COPY).

The authoritative reference and input builder live on the scoring server;
editing this copy changes nothing except your own understanding.
"""

import jax, jax.numpy as jnp
import numpy as np

M = 1000000
C = 128
B = 16384

def setup_inputs(seed: int = 0) -> dict:
    key = jax.random.key(seed)
    k1, k2, k3 = jax.random.split(key, 3)
    outputs = jax.random.normal(k1, (B, C), dtype=jnp.float32)
    index = jax.random.randint(k2, (B,), 0, M, dtype=jnp.int32)
    # learned/state parameter: confidence table (init arg of the module), values in [0,1]
    confidence = jax.random.uniform(k3, (M, C), dtype=jnp.float32)
    return {"outputs": outputs, "index": index, "confidence": confidence}

def reference(outputs, index, confidence):
    # targets = self.confidence[index, :]  (row gather from large table)
    targets = jnp.take(confidence, index, axis=0)
    # F.binary_cross_entropy_with_logits(outputs, targets) with mean reduction,
    # numerically-stable formulation: max(x,0) - x*t + log(1 + exp(-|x|))
    loss = jnp.mean(jnp.maximum(outputs, 0.0) - outputs * targets + jnp.log1p(jnp.exp(-jnp.abs(outputs))))
    return loss

if __name__ == "__main__":
    import jax
    _d = setup_inputs()
    print(jax.jit(kernel)(*tuple(_d.values())))

</pallas_src>

<mosaic_0001>
#map = affine_map<(d0, d1) -> (0, 0)>
#map1 = affine_map<(d0, d1) -> (0)>
module attributes {stable_mosaic.version = 14 : i64} {
  func.func @_sc_gather_dot(%arg0: i32, %arg1: i32, %arg2: memref<16384x128xf32, #tpu.memory_space<hbm>>, %arg3: memref<16384xi32, #tpu.memory_space<hbm>>, %arg4: memref<1000000x128xf32, #tpu.memory_space<hbm>>, %arg5: memref<32x16xf32, #tpu.memory_space<hbm>>, %arg6: memref<512xi32, #tpu.memory_space<vmem>>, %arg7: memref<6x64x128xf32, #tpu.memory_space<vmem>>, %arg8: memref<6x64x128xf32, #tpu.memory_space<vmem>>, %arg9: memref<16xf32, #tpu.memory_space<vmem>>, %arg10: memref<!tpu.dma_semaphore, #tpu.memory_space<semaphore_mem>>, %arg11: memref<!tpu.dma_semaphore, #tpu.memory_space<semaphore_mem>>, %arg12: memref<!tpu.dma_semaphore, #tpu.memory_space<semaphore_mem>>, %arg13: memref<!tpu.dma_semaphore, #tpu.memory_space<semaphore_mem>>, %arg14: memref<!tpu.dma_semaphore, #tpu.memory_space<semaphore_mem>>, %arg15: memref<!tpu.dma_semaphore, #tpu.memory_space<semaphore_mem>>, %arg16: memref<!tpu.dma_semaphore, #tpu.memory_space<semaphore_mem>>, %arg17: memref<!tpu.dma_semaphore, #tpu.memory_space<semaphore_mem>>, %arg18: memref<!tpu.dma_semaphore, #tpu.memory_space<semaphore_mem>>, %arg19: memref<!tpu.dma_semaphore, #tpu.memory_space<semaphore_mem>>, %arg20: memref<!tpu.dma_semaphore, #tpu.memory_space<semaphore_mem>>, %arg21: memref<!tpu.dma_semaphore, #tpu.memory_space<semaphore_mem>>) attributes {dimension_semantics = [#tpu.dimension_semantics<core_parallel>, #tpu.dimension_semantics<subcore_parallel>], iteration_bounds = array<i64: 2, 16>, scalar_prefetch = 0 : i64, scratch_operands = 16 : i64, tpu.core_type = #tpu.core_type<sc_vector_subcore>, window_params = [{transform_indices = #map}, {transform_indices = #map1}, {transform_indices = #map}, {transform_indices = #map}]} {
    %mul3A = arith.constant 2 : i32
    %mul3A_0 = arith.muli %arg1, %mul3A : i32
    %add3A = arith.addi %mul3A_0, %arg0 : i32
    %mul3A_1 = arith.constant 512 : i32
    %mul3A_2 = arith.muli %add3A, %mul3A_1 : i32
    "tpu.region"() ({
      %run_scoped3A = tpu.sem_alloc : memref<!tpu.dma_semaphore, #tpu.memory_space<semaphore_mem>>
      %dma_start3A_599 = tpu.memref_slice %arg3[%mul3A_2] : memref<16384xi32, #tpu.memory_space<hbm>> -> memref<512xi32, #tpu.memory_space<hbm>>
      %dma_start3A_600 = tpu.memref_slice %arg3[%mul3A_2] : memref<16384xi32, #tpu.memory_space<hbm>> -> memref<512xi32, #tpu.memory_space<hbm>>
      tpu.enqueue_dma source(%dma_start3A_600 : memref<512xi32, #tpu.memory_space<hbm>>) target(%arg6 : memref<512xi32, #tpu.memory_space<vmem>>) target_semaphore(%run_scoped3A : memref<!tpu.dma_semaphore, #tpu.memory_space<semaphore_mem>>)
      %dma_wait3A_601 = tpu.memref_slice %arg3[%mul3A_2] : memref<16384xi32, #tpu.memory_space<hbm>> -> memref<512xi32, #tpu.memory_space<hbm>>
      %dma_wait3A_602 = tpu.memref_slice %arg3[%mul3A_2] : memref<16384xi32, #tpu.memory_space<hbm>> -> memref<512xi32, #tpu.memory_space<hbm>>
      tpu.wait_dma2 semaphore(%run_scoped3A : memref<!tpu.dma_semaphore, #tpu.memory_space<semaphore_mem>>) src(%dma_wait3A_602 : memref<512xi32, #tpu.memory_space<hbm>>) dst(%arg6 : memref<512xi32, #tpu.memory_space<vmem>>)
      tpu.yield
    }) : () -> ()
    %dma_start3A = arith.constant 0 : i32
    %dma_start3A_3 = arith.constant 0 : i32
    %dma_start3A_4 = arith.constant 0 : i32
    %dma_start3A_5 = tpu.memref_slice %arg7[%dma_start3A, %dma_start3A_3, %dma_start3A_4] : memref<6x64x128xf32, #tpu.memory_space<vmem>> -> memref<1x64x128xf32, #tpu.memory_space<vmem>>
    %dma_start3A_6 = tpu.memref_squeeze %dma_start3A_5 : memref<1x64x128xf32, #tpu.memory_space<vmem>> -> memref<64x128xf32, #tpu.memory_space<vmem>>
    %dma_start3A_7 = arith.constant 0 : i32
    %dma_start3A_8 = arith.constant 0 : i32
    %dma_start3A_9 = tpu.memref_slice %dma_start3A_6[%dma_start3A_7, %dma_start3A_8] : memref<64x128xf32, #tpu.memory_space<vmem>> -> memref<64x128xf32, #tpu.memory_space<vmem>>
    %dma_start3A_10 = arith.constant 0 : i32
    %dma_start3A_11 = tpu.memref_slice %arg6[%dma_start3A_10] : memref<512xi32, #tpu.memory_space<vmem>> -> memref<64xi32, #tpu.memory_space<vmem>>
    %dma_start3A_12 = arith.constant 0 : i32
    %dma_start3A_13 = arith.constant 0 : i32
    %dma_start3A_14 = tpu.memref_slice %arg4[%dma_start3A_12, %dma_start3A_13] : memref<1000000x128xf32, #tpu.memory_space<hbm>> -> memref<1000000x128xf32, #tpu.memory_space<hbm>>
    tpu.enqueue_indirect_dma source(%dma_start3A_14 : memref<1000000x128xf32, #tpu.memory_space<hbm>>) target(%dma_start3A_9 : memref<64x128xf32, #tpu.memory_space<vmem>>) offsets(%dma_start3A_11 : memref<64xi32, #tpu.memory_space<vmem>>) semaphore(%arg10 : memref<!tpu.dma_semaphore, #tpu.memory_space<semaphore_mem>>)
    %add3A_15 = arith.constant 0 : i32
    %add3A_16 = arith.addi %mul3A_2, %add3A_15 : i32
    %dma_start3A_17 = arith.constant 0 : i32
    %dma_start3A_18 = arith.constant 0 : i32
    %dma_start3A_19 = arith.constant 0 : i32
    %dma_start3A_20 = tpu.memref_slice %arg8[%dma_start3A_17, %dma_start3A_18, %dma_start3A_19] : memref<6x64x128xf32, #tpu.memory_space<vmem>> -> memref<1x64x128xf32, #tpu.memory_space<vmem>>
    %dma_start3A_21 = tpu.memref_squeeze %dma_start3A_20 : memref<1x64x128xf32, #tpu.memory_space<vmem>> -> memref<64x128xf32, #tpu.memory_space<vmem>>
    %dma_start3A_22 = arith.constant 0 : i32
    %dma_start3A_23 = arith.constant 0 : i32
    %dma_start3A_24 = tpu.memref_slice %dma_start3A_21[%dma_start3A_22, %dma_start3A_23] : memref<64x128xf32, #tpu.memory_space<vmem>> -> memref<64x128xf32, #tpu.memory_space<vmem>>
    %dma_start3A_25 = arith.constant 0 : i32
    %dma_start3A_26 = tpu.memref_slice %arg2[%add3A_16, %dma_start3A_25] : memref<16384x128xf32, #tpu.memory_space<hbm>> -> memref<64x128xf32, #tpu.memory_space<hbm>>
    %dma_start3A_27 = arith.constant 0 : i32
    %dma_start3A_28 = arith.constant 0 : i32
    %dma_start3A_29 = tpu.memref_slice %arg8[%dma_start3A_17, %dma_start3A_27, %dma_start3A_28] : memref<6x64x128xf32, #tpu.memory_space<vmem>> -> memref<1x64x128xf32, #tpu.memory_space<vmem>>
    %dma_start3A_30 = tpu.memref_squeeze %dma_start3A_29 : memref<1x64x128xf32, #tpu.memory_space<vmem>> -> memref<64x128xf32, #tpu.memory_space<vmem>>
    %dma_start3A_31 = arith.constant 0 : i32
    %dma_start3A_32 = arith.constant 0 : i32
    %dma_start3A_33 = tpu.memref_slice %dma_start3A_30[%dma_start3A_31, %dma_start3A_32] : memref<64x128xf32, #tpu.memory_space<vmem>> -> memref<64x128xf32, #tpu.memory_space<vmem>>
    %dma_start3A_34 = arith.constant 0 : i32
    %dma_start3A_35 = tpu.memref_slice %arg2[%add3A_16, %dma_start3A_34] : memref<16384x128xf32, #tpu.memory_space<hbm>> -> memref<64x128xf32, #tpu.memory_space<hbm>>
    tpu.enqueue_dma source(%dma_start3A_35 : memref<64x128xf32, #tpu.memory_space<hbm>>) target(%dma_start3A_33 : memref<64x128xf32, #tpu.memory_space<vmem>>) target_semaphore(%arg16 : memref<!tpu.dma_semaphore, #tpu.memory_space<semaphore_mem>>)
    %dma_start3A_36 = arith.constant 1 : i32
    %dma_start3A_37 = arith.constant 0 : i32
    %dma_start3A_38 = arith.constant 0 : i32
    %dma_start3A_39 = tpu.memref_slice %arg7[%dma_start3A_36, %dma_start3A_37, %dma_start3A_38] : memref<6x64x128xf32, #tpu.memory_space<vmem>> -> memref<1x64x128xf32, #tpu.memory_space<vmem>>
    %dma_start3A_40 = tpu.memref_squeeze %dma_start3A_39 : memref<1x64x128xf32, #tpu.memory_space<vmem>> -> memref<64x128xf32, #tpu.memory_space<vmem>>
    %dma_start3A_41 = arith.constant 0 : i32
    %dma_start3A_42 = arith.constant 0 : i32
    %dma_start3A_43 = tpu.memref_slice %dma_start3A_40[%dma_start3A_41, %dma_start3A_42] : memref<64x128xf32, #tpu.memory_space<vmem>> -> memref<64x128xf32, #tpu.memory_space<vmem>>
    %dma_start3A_44 = arith.constant 64 : i32
    %dma_start3A_45 = tpu.memref_slice %arg6[%dma_start3A_44] : memref<512xi32, #tpu.memory_space<vmem>> -> memref<64xi32, #tpu.memory_space<vmem>>
    %dma_start3A_46 = arith.constant 0 : i32
    %dma_start3A_47 = arith.constant 0 : i32
    %dma_start3A_48 = tpu.memref_slice %arg4[%dma_start3A_46, %dma_start3A_47] : memref<1000000x128xf32, #tpu.memory_space<hbm>> -> memref<1000000x128xf32, #tpu.memory_space<hbm>>
    tpu.enqueue_indirect_dma source(%dma_start3A_48 : memref<1000000x128xf32, #tpu.memory_space<hbm>>) target(%dma_start3A_43 : memref<64x128xf32, #tpu.memory_space<vmem>>) offsets(%dma_start3A_45 : memref<64xi32, #tpu.memory_space<vmem>>) semaphore(%arg11 : memref<!tpu.dma_semaphore, #tpu.memory_space<semaphore_mem>>)
    %add3A_49 = arith.constant 64 : i32
    %add3A_50 = arith.addi %mul3A_2, %add3A_49 : i32
    %dma_start3A_51 = arith.constant 1 : i32
    %dma_start3A_52 = arith.constant 0 : i32
    %dma_start3A_53 = arith.constant 0 : i32
    %dma_start3A_54 = tpu.memref_slice %arg8[%dma_start3A_51, %dma_start3A_52, %dma_start3A_53] : memref<6x64x128xf32, #tpu.memory_space<vmem>> -> memref<1x64x128xf32, #tpu.memory_space<vmem>>
    %dma_start3A_55 = tpu.memref_squeeze %dma_start3A_54 : memref<1x64x128xf32, #tpu.memory_space<vmem>> -> memref<64x128xf32, #tpu.memory_space<vmem>>
    %dma_start3A_56 = arith.constant 0 : i32
    %dma_start3A_57 = arith.constant 0 : i32
    %dma_start3A_58 = tpu.memref_slice %dma_start3A_55[%dma_start3A_56, %dma_start3A_57] : memref<64x128xf32, #tpu.memory_space<vmem>> -> memref<64x128xf32, #tpu.memory_space<vmem>>
    %dma_start3A_59 = arith.constant 0 : i32
    %dma_start3A_60 = tpu.memref_slice %arg2[%add3A_50, %dma_start3A_59] : memref<16384x128xf32, #tpu.memory_space<hbm>> -> memref<64x128xf32, #tpu.memory_space<hbm>>
    %dma_start3A_61 = arith.constant 0 : i32
    %dma_start3A_62 = arith.constant 0 : i32
    %dma_start3A_63 = tpu.memref_slice %arg8[%dma_start3A_51, %dma_start3A_61, %dma_start3A_62] : memref<6x64x128xf32, #tpu.memory_space<vmem>> -> memref<1x64x128xf32, #tpu.memory_space<vmem>>
    %dma_start3A_64 = tpu.memref_squeeze %dma_start3A_63 : memref<1x64x128xf32, #tpu.memory_space<vmem>> -> memref<64x128xf32, #tpu.memory_space<vmem>>
    %dma_start3A_65 = arith.constant 0 : i32
    %dma_start3A_66 = arith.constant 0 : i32
    %dma_start3A_67 = tpu.memref_slice %dma_start3A_64[%dma_start3A_65, %dma_start3A_66] : memref<64x128xf32, #tpu.memory_space<vmem>> -> memref<64x128xf32, #tpu.memory_space<vmem>>
    %dma_start3A_68 = arith.constant 0 : i32
    %dma_start3A_69 = tpu.memref_slice %arg2[%add3A_50, %dma_start3A_68] : memref<16384x128xf32, #tpu.memory_space<hbm>> -> memref<64x128xf32, #tpu.memory_space<hbm>>
    tpu.enqueue_dma source(%dma_start3A_69 : memref<64x128xf32, #tpu.memory_space<hbm>>) target(%dma_start3A_67 : memref<64x128xf32, #tpu.memory_space<vmem>>) target_semaphore(%arg17 : memref<!tpu.dma_semaphore, #tpu.memory_space<semaphore_mem>>)
    %dma_start3A_70 = arith.constant 2 : i32
    %dma_start3A_71 = arith.constant 0 : i32
    %dma_start3A_72 = arith.constant 0 : i32
    %dma_start3A_73 = tpu.memref_slice %arg7[%dma_start3A_70, %dma_start3A_71, %dma_start3A_72] : memref<6x64x128xf32, #tpu.memory_space<vmem>> -> memref<1x64x128xf32, #tpu.memory_space<vmem>>
    %dma_start3A_74 = tpu.memref_squeeze %dma_start3A_73 : memref<1x64x128xf32, #tpu.memory_space<vmem>> -> memref<64x128xf32, #tpu.memory_space<vmem>>
    %dma_start3A_75 = arith.constant 0 : i32
    %dma_start3A_76 = arith.constant 0 : i32
    %dma_start3A_77 = tpu.memref_slice %dma_start3A_74[%dma_start3A_75, %dma_start3A_76] : memref<64x128xf32, #tpu.memory_space<vmem>> -> memref<64x128xf32, #tpu.memory_space<vmem>>
    %dma_start3A_78 = arith.constant 128 : i32
    %dma_start3A_79 = tpu.memref_slice %arg6[%dma_start3A_78] : memref<512xi32, #tpu.memory_space<vmem>> -> memref<64xi32, #tpu.memory_space<vmem>>
    %dma_start3A_80 = arith.constant 0 : i32
    %dma_start3A_81 = arith.constant 0 : i32
    %dma_start3A_82 = tpu.memref_slice %arg4[%dma_start3A_80, %dma_start3A_81] : memref<1000000x128xf32, #tpu.memory_space<hbm>> -> memref<1000000x128xf32, #tpu.memory_space<hbm>>
    tpu.enqueue_indirect_dma source(%dma_start3A_82 : memref<1000000x128xf32, #tpu.memory_space<hbm>>) target(%dma_start3A_77 : memref<64x128xf32, #tpu.memory_space<vmem>>) offsets(%dma_start3A_79 : memref<64xi32, #tpu.memory_space<vmem>>) semaphore(%arg12 : memref<!tpu.dma_semaphore, #tpu.memory_space<semaphore_mem>>)
    %add3A_83 = arith.constant 128 : i32
    %add3A_84 = arith.addi %mul3A_2, %add3A_83 : i32
    %dma_start3A_85 = arith.constant 2 : i32
    %dma_start3A_86 = arith.constant 0 : i32
    %dma_start3A_87 = arith.constant 0 : i32
    %dma_start3A_88 = tpu.memref_slice %arg8[%dma_start3A_85, %dma_start3A_86, %dma_start3A_87] : memref<6x64x128xf32, #tpu.memory_space<vmem>> -> memref<1x64x128xf32, #tpu.memory_space<vmem>>
    %dma_start3A_89 = tpu.memref_squeeze %dma_start3A_88 : memref<1x64x128xf32, #tpu.memory_space<vmem>> -> memref<64x128xf32, #tpu.memory_space<vmem>>
    %dma_start3A_90 = arith.constant 0 : i32
    %dma_start3A_91 = arith.constant 0 : i32
    %dma_start3A_92 = tpu.memref_slice %dma_start3A_89[%dma_start3A_90, %dma_start3A_91] : memref<64x128xf32, #tpu.memory_space<vmem>> -> memref<64x128xf32, #tpu.memory_space<vmem>>
    %dma_start3A_93 = arith.constant 0 : i32
    %dma_start3A_94 = tpu.memref_slice %arg2[%add3A_84, %dma_start3A_93] : memref<16384x128xf32, #tpu.memory_space<hbm>> -> memref<64x128xf32, #tpu.memory_space<hbm>>
    %dma_start3A_95 = arith.constant 0 : i32
    %dma_start3A_96 = arith.constant 0 : i32
    %dma_start3A_97 = tpu.memref_slice %arg8[%dma_start3A_85, %dma_start3A_95, %dma_start3A_96] : memref<6x64x128xf32, #tpu.memory_space<vmem>> -> memref<1x64x128xf32, #tpu.memory_space<vmem>>
    %dma_start3A_98 = tpu.memref_squeeze %dma_start3A_97 : memref<1x64x128xf32, #tpu.memory_space<vmem>> -> memref<64x128xf32, #tpu.memory_space<vmem>>
    %dma_start3A_99 = arith.constant 0 : i32
    %dma_start3A_100 = arith.constant 0 : i32
    %dma_start3A_101 = tpu.memref_slice %dma_start3A_98[%dma_start3A_99, %dma_start3A_100] : memref<64x128xf32, #tpu.memory_space<vmem>> -> memref<64x128xf32, #tpu.memory_space<vmem>>
    %dma_start3A_102 = arith.constant 0 : i32
    %dma_start3A_103 = tpu.memref_slice %arg2[%add3A_84, %dma_start3A_102] : memref<16384x128xf32, #tpu.memory_space<hbm>> -> memref<64x128xf32, #tpu.memory_space<hbm>>
    tpu.enqueue_dma source(%dma_start3A_103 : memref<64x128xf32, #tpu.memory_space<hbm>>) target(%dma_start3A_101 : memref<64x128xf32, #tpu.memory_space<vmem>>) target_semaphore(%arg18 : memref<!tpu.dma_semaphore, #tpu.memory_space<semaphore_mem>>)
    %dma_start3A_104 = arith.constant 3 : i32
    %dma_start3A_105 = arith.constant 0 : i32
    %dma_start3A_106 = arith.constant 0 : i32
    %dma_start3A_107 = tpu.memref_slice %arg7[%dma_start3A_104, %dma_start3A_105, %dma_start3A_106] : memref<6x64x128xf32, #tpu.memory_space<vmem>> -> memref<1x64x128xf32, #tpu.memory_space<vmem>>
    %dma_start3A_108 = tpu.memref_squeeze %dma_start3A_107 : memref<1x64x128xf32, #tpu.memory_space<vmem>> -> memref<64x128xf32, #tpu.memory_space<vmem>>
    %dma_start3A_109 = arith.constant 0 : i32
    %dma_start3A_110 = arith.constant 0 : i32
    %dma_start3A_111 = tpu.memref_slice %dma_start3A_108[%dma_start3A_109, %dma_start3A_110] : memref<64x128xf32, #tpu.memory_space<vmem>> -> memref<64x128xf32, #tpu.memory_space<vmem>>
    %dma_start3A_112 = arith.constant 192 : i32
    %dma_start3A_113 = tpu.memref_slice %arg6[%dma_start3A_112] : memref<512xi32, #tpu.memory_space<vmem>> -> memref<64xi32, #tpu.memory_space<vmem>>
    %dma_start3A_114 = arith.constant 0 : i32
    %dma_start3A_115 = arith.constant 0 : i32
    %dma_start3A_116 = tpu.memref_slice %arg4[%dma_start3A_114, %dma_start3A_115] : memref<1000000x128xf32, #tpu.memory_space<hbm>> -> memref<1000000x128xf32, #tpu.memory_space<hbm>>
    tpu.enqueue_indirect_dma source(%dma_start3A_116 : memref<1000000x128xf32, #tpu.memory_space<hbm>>) target(%dma_start3A_111 : memref<64x128xf32, #tpu.memory_space<vmem>>) offsets(%dma_start3A_113 : memref<64xi32, #tpu.memory_space<vmem>>) semaphore(%arg13 : memref<!tpu.dma_semaphore, #tpu.memory_space<semaphore_mem>>)
    %add3A_117 = arith.constant 192 : i32
    %add3A_118 = arith.addi %mul3A_2, %add3A_117 : i32
    %dma_start3A_119 = arith.constant 3 : i32
    %dma_start3A_120 = arith.constant 0 : i32
    %dma_start3A_121 = arith.constant 0 : i32
    %dma_start3A_122 = tpu.memref_slice %arg8[%dma_start3A_119, %dma_start3A_120, %dma_start3A_121] : memref<6x64x128xf32, #tpu.memory_space<vmem>> -> memref<1x64x128xf32, #tpu.memory_space<vmem>>
    %dma_start3A_123 = tpu.memref_squeeze %dma_start3A_122 : memref<1x64x128xf32, #tpu.memory_space<vmem>> -> memref<64x128xf32, #tpu.memory_space<vmem>>
    %dma_start3A_124 = arith.constant 0 : i32
    %dma_start3A_125 = arith.constant 0 : i32
    %dma_start3A_126 = tpu.memref_slice %dma_start3A_123[%dma_start3A_124, %dma_start3A_125] : memref<64x128xf32, #tpu.memory_space<vmem>> -> memref<64x128xf32, #tpu.memory_space<vmem>>
    %dma_start3A_127 = arith.constant 0 : i32
    %dma_start3A_128 = tpu.memref_slice %arg2[%add3A_118, %dma_start3A_127] : memref<16384x128xf32, #tpu.memory_space<hbm>> -> memref<64x128xf32, #tpu.memory_space<hbm>>
    %dma_start3A_129 = arith.constant 0 : i32
    %dma_start3A_130 = arith.constant 0 : i32
    %dma_start3A_131 = tpu.memref_slice %arg8[%dma_start3A_119, %dma_start3A_129, %dma_start3A_130] : memref<6x64x128xf32, #tpu.memory_space<vmem>> -> memref<1x64x128xf32, #tpu.memory_space<vmem>>
    %dma_start3A_132 = tpu.memref_squeeze %dma_start3A_131 : memref<1x64x128xf32, #tpu.memory_space<vmem>> -> memref<64x128xf32, #tpu.memory_space<vmem>>
    %dma_start3A_133 = arith.constant 0 : i32
    %dma_start3A_134 = arith.constant 0 : i32
    %dma_start3A_135 = tpu.memref_slice %dma_start3A_132[%dma_start3A_133, %dma_start3A_134] : memref<64x128xf32, #tpu.memory_space<vmem>> -> memref<64x128xf32, #tpu.memory_space<vmem>>
    %dma_start3A_136 = arith.constant 0 : i32
    %dma_start3A_137 = tpu.memref_slice %arg2[%add3A_118, %dma_start3A_136] : memref<16384x128xf32, #tpu.memory_space<hbm>> -> memref<64x128xf32, #tpu.memory_space<hbm>>
    tpu.enqueue_dma source(%dma_start3A_137 : memref<64x128xf32, #tpu.memory_space<hbm>>) target(%dma_start3A_135 : memref<64x128xf32, #tpu.memory_space<vmem>>) target_semaphore(%arg19 : memref<!tpu.dma_semaphore, #tpu.memory_space<semaphore_mem>>)
    %dma_start3A_138 = arith.constant 4 : i32
    %dma_start3A_139 = arith.constant 0 : i32
    %dma_start3A_140 = arith.constant 0 : i32
    %dma_start3A_141 = tpu.memref_slice %arg7[%dma_start3A_138, %dma_start3A_139, %dma_start3A_140] : memref<6x64x128xf32, #tpu.memory_space<vmem>> -> memref<1x64x128xf32, #tpu.memory_space<vmem>>
    %dma_start3A_142 = tpu.memref_squeeze %dma_start3A_141 : memref<1x64x128xf32, #tpu.memory_space<vmem>> -> memref<64x128xf32, #tpu.memory_space<vmem>>
    %dma_start3A_143 = arith.constant 0 : i32
    %dma_start3A_144 = arith.constant 0 : i32
    %dma_start3A_145 = tpu.memref_slice %dma_start3A_142[%dma_start3A_143, %dma_start3A_144] : memref<64x128xf32, #tpu.memory_space<vmem>> -> memref<64x128xf32, #tpu.memory_space<vmem>>
    %dma_start3A_146 = arith.constant 256 : i32
    %dma_start3A_147 = tpu.memref_slice %arg6[%dma_start3A_146] : memref<512xi32, #tpu.memory_space<vmem>> -> memref<64xi32, #tpu.memory_space<vmem>>
    %dma_start3A_148 = arith.constant 0 : i32
    %dma_start3A_149 = arith.constant 0 : i32
    %dma_start3A_150 = tpu.memref_slice %arg4[%dma_start3A_148, %dma_start3A_149] : memref<1000000x128xf32, #tpu.memory_space<hbm>> -> memref<1000000x128xf32, #tpu.memory_space<hbm>>
    tpu.enqueue_indirect_dma source(%dma_start3A_150 : memref<1000000x128xf32, #tpu.memory_space<hbm>>) target(%dma_start3A_145 : memref<64x128xf32, #tpu.memory_space<vmem>>) offsets(%dma_start3A_147 : memref<64xi32, #tpu.memory_space<vmem>>) semaphore(%arg14 : memref<!tpu.dma_semaphore, #tpu.memory_space<semaphore_mem>>)
    %add3A_151 = arith.constant 256 : i32
    %add3A_152 = arith.addi %mul3A_2, %add3A_151 : i32
    %dma_start3A_153 = arith.constant 4 : i32
    %dma_start3A_154 = arith.constant 0 : i32
    %dma_start3A_155 = arith.constant 0 : i32
    %dma_start3A_156 = tpu.memref_slice %arg8[%dma_start3A_153, %dma_start3A_154, %dma_start3A_155] : memref<6x64x128xf32, #tpu.memory_space<vmem>> -> memref<1x64x128xf32, #tpu.memory_space<vmem>>
    %dma_start3A_157 = tpu.memref_squeeze %dma_start3A_156 : memref<1x64x128xf32, #tpu.memory_space<vmem>> -> memref<64x128xf32, #tpu.memory_space<vmem>>
    %dma_start3A_158 = arith.constant 0 : i32
    %dma_start3A_159 = arith.constant 0 : i32
    %dma_start3A_160 = tpu.memref_slice %dma_start3A_157[%dma_start3A_158, %dma_start3A_159] : memref<64x128xf32, #tpu.memory_space<vmem>> -> memref<64x128xf32, #tpu.memory_space<vmem>>
    %dma_start3A_161 = arith.constant 0 : i32
    %dma_start3A_162 = tpu.memref_slice %arg2[%add3A_152, %dma_start3A_161] : memref<16384x128xf32, #tpu.memory_space<hbm>> -> memref<64x128xf32, #tpu.memory_space<hbm>>
    %dma_start3A_163 = arith.constant 0 : i32
    %dma_start3A_164 = arith.constant 0 : i32
    %dma_start3A_165 = tpu.memref_slice %arg8[%dma_start3A_153, %dma_start3A_163, %dma_start3A_164] : memref<6x64x128xf32, #tpu.memory_space<vmem>> -> memref<1x64x128xf32, #tpu.memory_space<vmem>>
    %dma_start3A_166 = tpu.memref_squeeze %dma_start3A_165 : memref<1x64x128xf32, #tpu.memory_space<vmem>> -> memref<64x128xf32, #tpu.memory_space<vmem>>
    %dma_start3A_167 = arith.constant 0 : i32
    %dma_start3A_168 = arith.constant 0 : i32
    %dma_start3A_169 = tpu.memref_slice %dma_start3A_166[%dma_start3A_167, %dma_start3A_168] : memref<64x128xf32, #tpu.memory_space<vmem>> -> memref<64x128xf32, #tpu.memory_space<vmem>>
    %dma_start3A_170 = arith.constant 0 : i32
    %dma_start3A_171 = tpu.memref_slice %arg2[%add3A_152, %dma_start3A_170] : memref<16384x128xf32, #tpu.memory_space<hbm>> -> memref<64x128xf32, #tpu.memory_space<hbm>>
    tpu.enqueue_dma source(%dma_start3A_171 : memref<64x128xf32, #tpu.memory_space<hbm>>) target(%dma_start3A_169 : memref<64x128xf32, #tpu.memory_space<vmem>>) target_semaphore(%arg20 : memref<!tpu.dma_semaphore, #tpu.memory_space<semaphore_mem>>)
    %dma_start3A_172 = arith.constant 5 : i32
    %dma_start3A_173 = arith.constant 0 : i32
    %dma_start3A_174 = arith.constant 0 : i32
    %dma_start3A_175 = tpu.memref_slice %arg7[%dma_start3A_172, %dma_start3A_173, %dma_start3A_174] : memref<6x64x128xf32, #tpu.memory_space<vmem>> -> memref<1x64x128xf32, #tpu.memory_space<vmem>>
    %dma_start3A_176 = tpu.memref_squeeze %dma_start3A_175 : memref<1x64x128xf32, #tpu.memory_space<vmem>> -> memref<64x128xf32, #tpu.memory_space<vmem>>
    %dma_start3A_177 = arith.constant 0 : i32
    %dma_start3A_178 = arith.constant 0 : i32
    %dma_start3A_179 = tpu.memref_slice %dma_start3A_176[%dma_start3A_177, %dma_start3A_178] : memref<64x128xf32, #tpu.memory_space<vmem>> -> memref<64x128xf32, #tpu.memory_space<vmem>>
    %dma_start3A_180 = arith.constant 320 : i32
    %dma_start3A_181 = tpu.memref_slice %arg6[%dma_start3A_180] : memref<512xi32, #tpu.memory_space<vmem>> -> memref<64xi32, #tpu.memory_space<vmem>>
    %dma_start3A_182 = arith.constant 0 : i32
    %dma_start3A_183 = arith.constant 0 : i32
    %dma_start3A_184 = tpu.memref_slice %arg4[%dma_start3A_182, %dma_start3A_183] : memref<1000000x128xf32, #tpu.memory_space<hbm>> -> memref<1000000x128xf32, #tpu.memory_space<hbm>>
    tpu.enqueue_indirect_dma source(%dma_start3A_184 : memref<1000000x128xf32, #tpu.memory_space<hbm>>) target(%dma_start3A_179 : memref<64x128xf32, #tpu.memory_space<vmem>>) offsets(%dma_start3A_181 : memref<64xi32, #tpu.memory_space<vmem>>) semaphore(%arg15 : memref<!tpu.dma_semaphore, #tpu.memory_space<semaphore_mem>>)
    %add3A_185 = arith.constant 320 : i32
    %add3A_186 = arith.addi %mul3A_2, %add3A_185 : i32
    %dma_start3A_187 = arith.constant 5 : i32
    %dma_start3A_188 = arith.constant 0 : i32
    %dma_start3A_189 = arith.constant 0 : i32
    %dma_start3A_190 = tpu.memref_slice %arg8[%dma_start3A_187, %dma_start3A_188, %dma_start3A_189] : memref<6x64x128xf32, #tpu.memory_space<vmem>> -> memref<1x64x128xf32, #tpu.memory_space<vmem>>
    %dma_start3A_191 = tpu.memref_squeeze %dma_start3A_190 : memref<1x64x128xf32, #tpu.memory_space<vmem>> -> memref<64x128xf32, #tpu.memory_space<vmem>>
    %dma_start3A_192 = arith.constant 0 : i32
    %dma_start3A_193 = arith.constant 0 : i32
    %dma_start3A_194 = tpu.memref_slice %dma_start3A_191[%dma_start3A_192, %dma_start3A_193] : memref<64x128xf32, #tpu.memory_space<vmem>> -> memref<64x128xf32, #tpu.memory_space<vmem>>
    %dma_start3A_195 = arith.constant 0 : i32
    %dma_start3A_196 = tpu.memref_slice %arg2[%add3A_186, %dma_start3A_195] : memref<16384x128xf32, #tpu.memory_space<hbm>> -> memref<64x128xf32, #tpu.memory_space<hbm>>
    %dma_start3A_197 = arith.constant 0 : i32
    %dma_start3A_198 = arith.constant 0 : i32
    %dma_start3A_199 = tpu.memref_slice %arg8[%dma_start3A_187, %dma_start3A_197, %dma_start3A_198] : memref<6x64x128xf32, #tpu.memory_space<vmem>> -> memref<1x64x128xf32, #tpu.memory_space<vmem>>
    %dma_start3A_200 = tpu.memref_squeeze %dma_start3A_199 : memref<1x64x128xf32, #tpu.memory_space<vmem>> -> memref<64x128xf32, #tpu.memory_space<vmem>>
    %dma_start3A_201 = arith.constant 0 : i32
    %dma_start3A_202 = arith.constant 0 : i32
    %dma_start3A_203 = tpu.memref_slice %dma_start3A_200[%dma_start3A_201, %dma_start3A_202] : memref<64x128xf32, #tpu.memory_space<vmem>> -> memref<64x128xf32, #tpu.memory_space<vmem>>
    %dma_start3A_204 = arith.constant 0 : i32
    %dma_start3A_205 = tpu.memref_slice %arg2[%add3A_186, %dma_start3A_204] : memref<16384x128xf32, #tpu.memory_space<hbm>> -> memref<64x128xf32, #tpu.memory_space<hbm>>
    tpu.enqueue_dma source(%dma_start3A_205 : memref<64x128xf32, #tpu.memory_space<hbm>>) target(%dma_start3A_203 : memref<64x128xf32, #tpu.memory_space<vmem>>) target_semaphore(%arg21 : memref<!tpu.dma_semaphore, #tpu.memory_space<semaphore_mem>>)
    %broadcast_in_dim3A = arith.constant 0.000000e+00 : f32
    %broadcast_in_dim3A_206 = vector.broadcast %broadcast_in_dim3A : f32 to vector<16xf32>
    %broadcast_in_dim3A_207 = arith.constant 0.000000e+00 : f32
    %broadcast_in_dim3A_208 = vector.broadcast %broadcast_in_dim3A_207 : f32 to vector<16xf32>
    %broadcast_in_dim3A_209 = arith.constant 0.000000e+00 : f32
    %broadcast_in_dim3A_210 = vector.broadcast %broadcast_in_dim3A_209 : f32 to vector<16xf32>
    %broadcast_in_dim3A_211 = arith.constant 0.000000e+00 : f32
    %broadcast_in_dim3A_212 = vector.broadcast %broadcast_in_dim3A_211 : f32 to vector<16xf32>
    %broadcast_in_dim3A_213 = arith.constant 0.000000e+00 : f32
    %broadcast_in_dim3A_214 = vector.broadcast %broadcast_in_dim3A_213 : f32 to vector<16xf32>
    %broadcast_in_dim3A_215 = arith.constant 0.000000e+00 : f32
    %broadcast_in_dim3A_216 = vector.broadcast %broadcast_in_dim3A_215 : f32 to vector<16xf32>
    %broadcast_in_dim3A_217 = arith.constant 0.000000e+00 : f32
    %broadcast_in_dim3A_218 = vector.broadcast %broadcast_in_dim3A_217 : f32 to vector<16xf32>
    %broadcast_in_dim3A_219 = arith.constant 0.000000e+00 : f32
    %broadcast_in_dim3A_220 = vector.broadcast %broadcast_in_dim3A_219 : f32 to vector<16xf32>
    %dma_wait3A = arith.constant 0 : i32
    %dma_wait3A_221 = arith.constant 0 : i32
    %dma_wait3A_222 = arith.constant 0 : i32
    %dma_wait3A_223 = tpu.memref_slice %arg7[%dma_wait3A, %dma_wait3A_221, %dma_wait3A_222] : memref<6x64x128xf32, #tpu.memory_space<vmem>> -> memref<1x64x128xf32, #tpu.memory_space<vmem>>
    %dma_wait3A_224 = tpu.memref_squeeze %dma_wait3A_223 : memref<1x64x128xf32, #tpu.memory_space<vmem>> -> memref<64x128xf32, #tpu.memory_space<vmem>>
    %dma_wait3A_225 = arith.constant 0 : i32
    %dma_wait3A_226 = arith.constant 0 : i32
    %dma_wait3A_227 = tpu.memref_slice %dma_wait3A_224[%dma_wait3A_225, %dma_wait3A_226] : memref<64x128xf32, #tpu.memory_space<vmem>> -> memref<64x128xf32, #tpu.memory_space<vmem>>
    %dma_wait3A_228 = arith.constant 0 : i32
    %dma_wait3A_229 = tpu.memref_slice %arg6[%dma_wait3A_228] : memref<512xi32, #tpu.memory_space<vmem>> -> memref<64xi32, #tpu.memory_space<vmem>>
    %dma_wait3A_230 = arith.constant 0 : i32
    %dma_wait3A_231 = arith.constant 0 : i32
    %dma_wait3A_232 = tpu.memref_slice %arg4[%dma_wait3A_230, %dma_wait3A_231] : memref<1000000x128xf32, #tpu.memory_space<hbm>> -> memref<1000000x128xf32, #tpu.memory_space<hbm>>
    tpu.wait_indirect_dma semaphore(%arg10 : memref<!tpu.dma_semaphore, #tpu.memory_space<semaphore_mem>>) src(%dma_wait3A_232 : memref<1000000x128xf32, #tpu.memory_space<hbm>>) dst(%dma_wait3A_227 : memref<64x128xf32, #tpu.memory_space<vmem>>)
    %dma_wait3A_233 = arith.constant 0 : i32
    %dma_wait3A_234 = arith.constant 0 : i32
    %dma_wait3A_235 = arith.constant 0 : i32
    %dma_wait3A_236 = tpu.memref_slice %arg8[%dma_wait3A_233, %dma_wait3A_234, %dma_wait3A_235] : memref<6x64x128xf32, #tpu.memory_space<vmem>> -> memref<1x64x128xf32, #tpu.memory_space<vmem>>
    %dma_wait3A_237 = tpu.memref_squeeze %dma_wait3A_236 : memref<1x64x128xf32, #tpu.memory_space<vmem>> -> memref<64x128xf32, #tpu.memory_space<vmem>>
    %dma_wait3A_238 = arith.constant 0 : i32
    %dma_wait3A_239 = arith.constant 0 : i32
    %dma_wait3A_240 = tpu.memref_slice %dma_wait3A_237[%dma_wait3A_238, %dma_wait3A_239] : memref<64x128xf32, #tpu.memory_space<vmem>> -> memref<64x128xf32, #tpu.memory_space<vmem>>
    %dma_wait3A_241 = arith.constant 0 : i32
    %dma_wait3A_242 = tpu.memref_slice %arg2[%add3A_16, %dma_wait3A_241] : memref<16384x128xf32, #tpu.memory_space<hbm>> -> memref<64x128xf32, #tpu.memory_space<hbm>>
    %dma_wait3A_243 = arith.constant 0 : i32
    %dma_wait3A_244 = arith.constant 0 : i32
    %dma_wait3A_245 = tpu.memref_slice %arg8[%dma_wait3A_233, %dma_wait3A_243, %dma_wait3A_244] : memref<6x64x128xf32, #tpu.memory_space<vmem>> -> memref<1x64x128xf32, #tpu.memory_space<vmem>>
    %dma_wait3A_246 = tpu.memref_squeeze %dma_wait3A_245 : memref<1x64x128xf32, #tpu.memory_space<vmem>> -> memref<64x128xf32, #tpu.memory_space<vmem>>
    %dma_wait3A_247 = arith.constant 0 : i32
    %dma_wait3A_248 = arith.constant 0 : i32
    %dma_wait3A_249 = tpu.memref_slice %dma_wait3A_246[%dma_wait3A_247, %dma_wait3A_248] : memref<64x128xf32, #tpu.memory_space<vmem>> -> memref<64x128xf32, #tpu.memory_space<vmem>>
    %dma_wait3A_250 = arith.constant 0 : i32
    %dma_wait3A_251 = tpu.memref_slice %arg2[%add3A_16, %dma_wait3A_250] : memref<16384x128xf32, #tpu.memory_space<hbm>> -> memref<64x128xf32, #tpu.memory_space<hbm>>
    tpu.wait_dma2 semaphore(%arg16 : memref<!tpu.dma_semaphore, #tpu.memory_space<semaphore_mem>>) src(%dma_wait3A_251 : memref<64x128xf32, #tpu.memory_space<hbm>>) dst(%dma_wait3A_249 : memref<64x128xf32, #tpu.memory_space<vmem>>)
    %scan3A = arith.constant 0 : i32
    %scan3A_252 = arith.constant 64 : i32
    %scan3A_253 = arith.addi %scan3A, %scan3A_252 : i32
    %scan3A_254 = arith.constant 1 : i32
    %scan3A_255:8 = scf.for %scan3A_599 = %scan3A to %scan3A_253 step %scan3A_254 iter_args(%scan3A_600 = %broadcast_in_dim3A_206, %scan3A_601 = %broadcast_in_dim3A_208, %scan3A_602 = %broadcast_in_dim3A_210, %scan3A_603 = %broadcast_in_dim3A_212, %scan3A_604 = %broadcast_in_dim3A_214, %scan3A_605 = %broadcast_in_dim3A_216, %scan3A_606 = %broadcast_in_dim3A_218, %scan3A_607 = %broadcast_in_dim3A_220) -> (vector<16xf32>, vector<16xf32>, vector<16xf32>, vector<16xf32>, vector<16xf32>, vector<16xf32>, vector<16xf32>, vector<16xf32>)  : i32 {
      %get3A = arith.constant 0 : i32
      %get3A_608 = arith.index_cast %get3A : i32 to index
      %get3A_609 = arith.index_cast %scan3A_599 : i32 to index
      %get3A_610 = arith.constant 0 : index
      %get3A_611 = tpu.vector_load %arg7[%get3A_608, %get3A_609, %get3A_610] {strides = array<i32>} : memref<6x64x128xf32, #tpu.memory_space<vmem>>, vector<16xf32>,
      %get3A_612 = arith.constant 0 : i32
      %get3A_613 = arith.index_cast %get3A_612 : i32 to index
      %get3A_614 = arith.index_cast %scan3A_599 : i32 to index
      %get3A_615 = arith.constant 0 : index
      %get3A_616 = tpu.vector_load %arg8[%get3A_613, %get3A_614, %get3A_615] {strides = array<i32>} : memref<6x64x128xf32, #tpu.memory_space<vmem>>, vector<16xf32>,
      %mul3A_617 = arith.mulf %get3A_611, %get3A_616 : vector<16xf32>
      %add3A_618 = arith.addf %scan3A_600, %mul3A_617 : vector<16xf32>
      %get3A_619 = arith.constant 0 : i32
      %get3A_620 = arith.index_cast %get3A_619 : i32 to index
      %get3A_621 = arith.index_cast %scan3A_599 : i32 to index
      %get3A_622 = arith.constant 16 : index
      %get3A_623 = tpu.vector_load %arg7[%get3A_620, %get3A_621, %get3A_622] {strides = array<i32>} : memref<6x64x128xf32, #tpu.memory_space<vmem>>, vector<16xf32>,
      %get3A_624 = arith.constant 0 : i32
      %get3A_625 = arith.index_cast %get3A_624 : i32 to index
      %get3A_626 = arith.index_cast %scan3A_599 : i32 to index
      %get3A_627 = arith.constant 16 : index
      %get3A_628 = tpu.vector_load %arg8[%get3A_625, %get3A_626, %get3A_627] {strides = array<i32>} : memref<6x64x128xf32, #tpu.memory_space<vmem>>, vector<16xf32>,
      %mul3A_629 = arith.mulf %get3A_623, %get3A_628 : vector<16xf32>
      %add3A_630 = arith.addf %scan3A_601, %mul3A_629 : vector<16xf32>
      %get3A_631 = arith.constant 0 : i32
      %get3A_632 = arith.index_cast %get3A_631 : i32 to index
      %get3A_633 = arith.index_cast %scan3A_599 : i32 to index
      %get3A_634 = arith.constant 32 : index
      %get3A_635 = tpu.vector_load %arg7[%get3A_632, %get3A_633, %get3A_634] {strides = array<i32>} : memref<6x64x128xf32, #tpu.memory_space<vmem>>, vector<16xf32>,
      %get3A_636 = arith.constant 0 : i32
      %get3A_637 = arith.index_cast %get3A_636 : i32 to index
      %get3A_638 = arith.index_cast %scan3A_599 : i32 to index
      %get3A_639 = arith.constant 32 : index
      %get3A_640 = tpu.vector_load %arg8[%get3A_637, %get3A_638, %get3A_639] {strides = array<i32>} : memref<6x64x128xf32, #tpu.memory_space<vmem>>, vector<16xf32>,
      %mul3A_641 = arith.mulf %get3A_635, %get3A_640 : vector<16xf32>
      %add3A_642 = arith.addf %scan3A_602, %mul3A_641 : vector<16xf32>
      %get3A_643 = arith.constant 0 : i32
      %get3A_644 = arith.index_cast %get3A_643 : i32 to index
      %get3A_645 = arith.index_cast %scan3A_599 : i32 to index
      %get3A_646 = arith.constant 48 : index
      %get3A_647 = tpu.vector_load %arg7[%get3A_644, %get3A_645, %get3A_646] {strides = array<i32>} : memref<6x64x128xf32, #tpu.memory_space<vmem>>, vector<16xf32>,
      %get3A_648 = arith.constant 0 : i32
      %get3A_649 = arith.index_cast %get3A_648 : i32 to index
      %get3A_650 = arith.index_cast %scan3A_599 : i32 to index
      %get3A_651 = arith.constant 48 : index
      %get3A_652 = tpu.vector_load %arg8[%get3A_649, %get3A_650, %get3A_651] {strides = array<i32>} : memref<6x64x128xf32, #tpu.memory_space<vmem>>, vector<16xf32>,
      %mul3A_653 = arith.mulf %get3A_647, %get3A_652 : vector<16xf32>
      %add3A_654 = arith.addf %scan3A_603, %mul3A_653 : vector<16xf32>
      %get3A_655 = arith.constant 0 : i32
      %get3A_656 = arith.index_cast %get3A_655 : i32 to index
      %get3A_657 = arith.index_cast %scan3A_599 : i32 to index
      %get3A_658 = arith.constant 64 : index
      %get3A_659 = tpu.vector_load %arg7[%get3A_656, %get3A_657, %get3A_658] {strides = array<i32>} : memref<6x64x128xf32, #tpu.memory_space<vmem>>, vector<16xf32>,
      %get3A_660 = arith.constant 0 : i32
      %get3A_661 = arith.index_cast %get3A_660 : i32 to index
      %get3A_662 = arith.index_cast %scan3A_599 : i32 to index
      %get3A_663 = arith.constant 64 : index
      %get3A_664 = tpu.vector_load %arg8[%get3A_661, %get3A_662, %get3A_663] {strides = array<i32>} : memref<6x64x128xf32, #tpu.memory_space<vmem>>, vector<16xf32>,
      %mul3A_665 = arith.mulf %get3A_659, %get3A_664 : vector<16xf32>
      %add3A_666 = arith.addf %scan3A_604, %mul3A_665 : vector<16xf32>
      %get3A_667 = arith.constant 0 : i32
      %get3A_668 = arith.index_cast %get3A_667 : i32 to index
      %get3A_669 = arith.index_cast %scan3A_599 : i32 to index
      %get3A_670 = arith.constant 80 : index
      %get3A_671 = tpu.vector_load %arg7[%get3A_668, %get3A_669, %get3A_670] {strides = array<i32>} : memref<6x64x128xf32, #tpu.memory_space<vmem>>, vector<16xf32>,
      %get3A_672 = arith.constant 0 : i32
      %get3A_673 = arith.index_cast %get3A_672 : i32 to index
      %get3A_674 = arith.index_cast %scan3A_599 : i32 to index
      %get3A_675 = arith.constant 80 : index
      %get3A_676 = tpu.vector_load %arg8[%get3A_673, %get3A_674, %get3A_675] {strides = array<i32>} : memref<6x64x128xf32, #tpu.memory_space<vmem>>, vector<16xf32>,
      %mul3A_677 = arith.mulf %get3A_671, %get3A_676 : vector<16xf32>
      %add3A_678 = arith.addf %scan3A_605, %mul3A_677 : vector<16xf32>
      %get3A_679 = arith.constant 0 : i32
      %get3A_680 = arith.index_cast %get3A_679 : i32 to index
      %get3A_681 = arith.index_cast %scan3A_599 : i32 to index
      %get3A_682 = arith.constant 96 : index
      %get3A_683 = tpu.vector_load %arg7[%get3A_680, %get3A_681, %get3A_682] {strides = array<i32>} : memref<6x64x128xf32, #tpu.memory_space<vmem>>, vector<16xf32>,
      %get3A_684 = arith.constant 0 : i32
      %get3A_685 = arith.index_cast %get3A_684 : i32 to index
      %get3A_686 = arith.index_cast %scan3A_599 : i32 to index
      %get3A_687 = arith.constant 96 : index
      %get3A_688 = tpu.vector_load %arg8[%get3A_685, %get3A_686, %get3A_687] {strides = array<i32>} : memref<6x64x128xf32, #tpu.memory_space<vmem>>, vector<16xf32>,
      %mul3A_689 = arith.mulf %get3A_683, %get3A_688 : vector<16xf32>
      %add3A_690 = arith.addf %scan3A_606, %mul3A_689 : vector<16xf32>
      %get3A_691 = arith.constant 0 : i32
      %get3A_692 = arith.index_cast %get3A_691 : i32 to index
      %get3A_693 = arith.index_cast %scan3A_599 : i32 to index
      %get3A_694 = arith.constant 112 : index
      %get3A_695 = tpu.vector_load %arg7[%get3A_692, %get3A_693, %get3A_694] {strides = array<i32>} : memref<6x64x128xf32, #tpu.memory_space<vmem>>, vector<16xf32>,
      %get3A_696 = arith.constant 0 : i32
      %get3A_697 = arith.index_cast %get3A_696 : i32 to index
      %get3A_698 = arith.index_cast %scan3A_599 : i32 to index
      %get3A_699 = arith.constant 112 : index
      %get3A_700 = tpu.vector_load %arg8[%get3A_697, %get3A_698, %get3A_699] {strides = array<i32>} : memref<6x64x128xf32, #tpu.memory_space<vmem>>, vector<16xf32>,
      %mul3A_701 = arith.mulf %get3A_695, %get3A_700 : vector<16xf32>
      %add3A_702 = arith.addf %scan3A_607, %mul3A_701 : vector<16xf32>
      scf.yield %add3A_618, %add3A_630, %add3A_642, %add3A_654, %add3A_666, %add3A_678, %add3A_690, %add3A_702 : vector<16xf32>, vector<16xf32>, vector<16xf32>, vector<16xf32>, vector<16xf32>, vector<16xf32>, vector<16xf32>, vector<16xf32>
    }
    %scan3A_256 = arith.constant 64 : i32
    %dma_start3A_257 = arith.constant 0 : i32
    %dma_start3A_258 = arith.constant 0 : i32
    %dma_start3A_259 = arith.constant 0 : i32
    %dma_start3A_260 = tpu.memref_slice %arg7[%dma_start3A_257, %dma_start3A_258, %dma_start3A_259] : memref<6x64x128xf32, #tpu.memory_space<vmem>> -> memref<1x64x128xf32, #tpu.memory_space<vmem>>
    %dma_start3A_261 = tpu.memref_squeeze %dma_start3A_260 : memref<1x64x128xf32, #tpu.memory_space<vmem>> -> memref<64x128xf32, #tpu.memory_space<vmem>>
    %dma_start3A_262 = arith.constant 0 : i32
    %dma_start3A_263 = arith.constant 0 : i32
    %dma_start3A_264 = tpu.memref_slice %dma_start3A_261[%dma_start3A_262, %dma_start3A_263] : memref<64x128xf32, #tpu.memory_space<vmem>> -> memref<64x128xf32, #tpu.memory_space<vmem>>
    %dma_start3A_265 = arith.constant 384 : i32
    %dma_start3A_266 = tpu.memref_slice %arg6[%dma_start3A_265] : memref<512xi32, #tpu.memory_space<vmem>> -> memref<64xi32, #tpu.memory_space<vmem>>
    %dma_start3A_267 = arith.constant 0 : i32
    %dma_start3A_268 = arith.constant 0 : i32
    %dma_start3A_269 = tpu.memref_slice %arg4[%dma_start3A_267, %dma_start3A_268] : memref<1000000x128xf32, #tpu.memory_space<hbm>> -> memref<1000000x128xf32, #tpu.memory_space<hbm>>
    tpu.enqueue_indirect_dma source(%dma_start3A_269 : memref<1000000x128xf32, #tpu.memory_space<hbm>>) target(%dma_start3A_264 : memref<64x128xf32, #tpu.memory_space<vmem>>) offsets(%dma_start3A_266 : memref<64xi32, #tpu.memory_space<vmem>>) semaphore(%arg10 : memref<!tpu.dma_semaphore, #tpu.memory_space<semaphore_mem>>)
    %add3A_270 = arith.constant 384 : i32
    %add3A_271 = arith.addi %mul3A_2, %add3A_270 : i32
    %dma_start3A_272 = arith.constant 0 : i32
    %dma_start3A_273 = arith.constant 0 : i32
    %dma_start3A_274 = arith.constant 0 : i32
    %dma_start3A_275 = tpu.memref_slice %arg8[%dma_start3A_272, %dma_start3A_273, %dma_start3A_274] : memref<6x64x128xf32, #tpu.memory_space<vmem>> -> memref<1x64x128xf32, #tpu.memory_space<vmem>>
    %dma_start3A_276 = tpu.memref_squeeze %dma_start3A_275 : memref<1x64x128xf32, #tpu.memory_space<vmem>> -> memref<64x128xf32, #tpu.memory_space<vmem>>
    %dma_start3A_277 = arith.constant 0 : i32
    %dma_start3A_278 = arith.constant 0 : i32
    %dma_start3A_279 = tpu.memref_slice %dma_start3A_276[%dma_start3A_277, %dma_start3A_278] : memref<64x128xf32, #tpu.memory_space<vmem>> -> memref<64x128xf32, #tpu.memory_space<vmem>>
    %dma_start3A_280 = arith.constant 0 : i32
    %dma_start3A_281 = tpu.memref_slice %arg2[%add3A_271, %dma_start3A_280] : memref<16384x128xf32, #tpu.memory_space<hbm>> -> memref<64x128xf32, #tpu.memory_space<hbm>>
    %dma_start3A_282 = arith.constant 0 : i32
    %dma_start3A_283 = arith.constant 0 : i32
    %dma_start3A_284 = tpu.memref_slice %arg8[%dma_start3A_272, %dma_start3A_282, %dma_start3A_283] : memref<6x64x128xf32, #tpu.memory_space<vmem>> -> memref<1x64x128xf32, #tpu.memory_space<vmem>>
    %dma_start3A_285 = tpu.memref_squeeze %dma_start3A_284 : memref<1x64x128xf32, #tpu.memory_space<vmem>> -> memref<64x128xf32, #tpu.memory_space<vmem>>
    %dma_start3A_286 = arith.constant 0 : i32
    %dma_start3A_287 = arith.constant 0 : i32
    %dma_start3A_288 = tpu.memref_slice %dma_start3A_285[%dma_start3A_286, %dma_start3A_287] : memref<64x128xf32, #tpu.memory_space<vmem>> -> memref<64x128xf32, #tpu.memory_space<vmem>>
    %dma_start3A_289 = arith.constant 0 : i32
    %dma_start3A_290 = tpu.memref_slice %arg2[%add3A_271, %dma_start3A_289] : memref<16384x128xf32, #tpu.memory_space<hbm>> -> memref<64x128xf32, #tpu.memory_space<hbm>>
    tpu.enqueue_dma source(%dma_start3A_290 : memref<64x128xf32, #tpu.memory_space<hbm>>) target(%dma_start3A_288 : memref<64x128xf32, #tpu.memory_space<vmem>>) target_semaphore(%arg16 : memref<!tpu.dma_semaphore, #tpu.memory_space<semaphore_mem>>)
    %dma_wait3A_291 = arith.constant 1 : i32
    %dma_wait3A_292 = arith.constant 0 : i32
    %dma_wait3A_293 = arith.constant 0 : i32
    %dma_wait3A_294 = tpu.memref_slice %arg7[%dma_wait3A_291, %dma_wait3A_292, %dma_wait3A_293] : memref<6x64x128xf32, #tpu.memory_space<vmem>> -> memref<1x64x128xf32, #tpu.memory_space<vmem>>
    %dma_wait3A_295 = tpu.memref_squeeze %dma_wait3A_294 : memref<1x64x128xf32, #tpu.memory_space<vmem>> -> memref<64x128xf32, #tpu.memory_space<vmem>>
    %dma_wait3A_296 = arith.constant 0 : i32
    %dma_wait3A_297 = arith.constant 0 : i32
    %dma_wait3A_298 = tpu.memref_slice %dma_wait3A_295[%dma_wait3A_296, %dma_wait3A_297] : memref<64x128xf32, #tpu.memory_space<vmem>> -> memref<64x128xf32, #tpu.memory_space<vmem>>
    %dma_wait3A_299 = arith.constant 64 : i32
    %dma_wait3A_300 = tpu.memref_slice %arg6[%dma_wait3A_299] : memref<512xi32, #tpu.memory_space<vmem>> -> memref<64xi32, #tpu.memory_space<vmem>>
    %dma_wait3A_301 = arith.constant 0 : i32
    %dma_wait3A_302 = arith.constant 0 : i32
    %dma_wait3A_303 = tpu.memref_slice %arg4[%dma_wait3A_301, %dma_wait3A_302] : memref<1000000x128xf32, #tpu.memory_space<hbm>> -> memref<1000000x128xf32, #tpu.memory_space<hbm>>
    tpu.wait_indirect_dma semaphore(%arg11 : memref<!tpu.dma_semaphore, #tpu.memory_space<semaphore_mem>>) src(%dma_wait3A_303 : memref<1000000x128xf32, #tpu.memory_space<hbm>>) dst(%dma_wait3A_298 : memref<64x128xf32, #tpu.memory_space<vmem>>)
    %dma_wait3A_304 = arith.constant 1 : i32
    %dma_wait3A_305 = arith.constant 0 : i32
    %dma_wait3A_306 = arith.constant 0 : i32
    %dma_wait3A_307 = tpu.memref_slice %arg8[%dma_wait3A_304, %dma_wait3A_305, %dma_wait3A_306] : memref<6x64x128xf32, #tpu.memory_space<vmem>> -> memref<1x64x128xf32, #tpu.memory_space<vmem>>
    %dma_wait3A_308 = tpu.memref_squeeze %dma_wait3A_307 : memref<1x64x128xf32, #tpu.memory_space<vmem>> -> memref<64x128xf32, #tpu.memory_space<vmem>>
    %dma_wait3A_309 = arith.constant 0 : i32
    %dma_wait3A_310 = arith.constant 0 : i32
    %dma_wait3A_311 = tpu.memref_slice %dma_wait3A_308[%dma_wait3A_309, %dma_wait3A_310] : memref<64x128xf32, #tpu.memory_space<vmem>> -> memref<64x128xf32, #tpu.memory_space<vmem>>
    %dma_wait3A_312 = arith.constant 0 : i32
    %dma_wait3A_313 = tpu.memref_slice %arg2[%add3A_50, %dma_wait3A_312] : memref<16384x128xf32, #tpu.memory_space<hbm>> -> memref<64x128xf32, #tpu.memory_space<hbm>>
    %dma_wait3A_314 = arith.constant 0 : i32
    %dma_wait3A_315 = arith.constant 0 : i32
    %dma_wait3A_316 = tpu.memref_slice %arg8[%dma_wait3A_304, %dma_wait3A_314, %dma_wait3A_315] : memref<6x64x128xf32, #tpu.memory_space<vmem>> -> memref<1x64x128xf32, #tpu.memory_space<vmem>>
    %dma_wait3A_317 = tpu.memref_squeeze %dma_wait3A_316 : memref<1x64x128xf32, #tpu.memory_space<vmem>> -> memref<64x128xf32, #tpu.memory_space<vmem>>
    %dma_wait3A_318 = arith.constant 0 : i32
    %dma_wait3A_319 = arith.constant 0 : i32
    %dma_wait3A_320 = tpu.memref_slice %dma_wait3A_317[%dma_wait3A_318, %dma_wait3A_319] : memref<64x128xf32, #tpu.memory_space<vmem>> -> memref<64x128xf32, #tpu.memory_space<vmem>>
    %dma_wait3A_321 = arith.constant 0 : i32
    %dma_wait3A_322 = tpu.memref_slice %arg2[%add3A_50, %dma_wait3A_321] : memref<16384x128xf32, #tpu.memory_space<hbm>> -> memref<64x128xf32, #tpu.memory_space<hbm>>
    tpu.wait_dma2 semaphore(%arg17 : memref<!tpu.dma_semaphore, #tpu.memory_space<semaphore_mem>>) src(%dma_wait3A_322 : memref<64x128xf32, #tpu.memory_space<hbm>>) dst(%dma_wait3A_320 : memref<64x128xf32, #tpu.memory_space<vmem>>)
    %scan3A_323 = arith.constant 0 : i32
    %scan3A_324 = arith.constant 64 : i32
    %scan3A_325 = arith.addi %scan3A_323, %scan3A_324 : i32
    %scan3A_326 = arith.constant 1 : i32
    %scan3A_327:8 = scf.for %scan3A_599 = %scan3A_323 to %scan3A_325 step %scan3A_326 iter_args(%scan3A_600 = %scan3A_255#0, %scan3A_601 = %scan3A_255#1, %scan3A_602 = %scan3A_255#2, %scan3A_603 = %scan3A_255#3, %scan3A_604 = %scan3A_255#4, %scan3A_605 = %scan3A_255#5, %scan3A_606 = %scan3A_255#6, %scan3A_607 = %scan3A_255#7) -> (vector<16xf32>, vector<16xf32>, vector<16xf32>, vector<16xf32>, vector<16xf32>, vector<16xf32>, vector<16xf32>, vector<16xf32>)  : i32 {
      %get3A = arith.constant 1 : i32
      %get3A_608 = arith.index_cast %get3A : i32 to index
      %get3A_609 = arith.index_cast %scan3A_599 : i32 to index
      %get3A_610 = arith.constant 0 : index
      %get3A_611 = tpu.vector_load %arg7[%get3A_608, %get3A_609, %get3A_610] {strides = array<i32>} : memref<6x64x128xf32, #tpu.memory_space<vmem>>, vector<16xf32>,
      %get3A_612 = arith.constant 1 : i32
      %get3A_613 = arith.index_cast %get3A_612 : i32 to index
      %get3A_614 = arith.index_cast %scan3A_599 : i32 to index
      %get3A_615 = arith.constant 0 : index
      %get3A_616 = tpu.vector_load %arg8[%get3A_613, %get3A_614, %get3A_615] {strides = array<i32>} : memref<6x64x128xf32, #tpu.memory_space<vmem>>, vector<16xf32>,
      %mul3A_617 = arith.mulf %get3A_611, %get3A_616 : vector<16xf32>
      %add3A_618 = arith.addf %scan3A_600, %mul3A_617 : vector<16xf32>
      %get3A_619 = arith.constant 1 : i32
      %get3A_620 = arith.index_cast %get3A_619 : i32 to index
      %get3A_621 = arith.index_cast %scan3A_599 : i32 to index
      %get3A_622 = arith.constant 16 : index
      %get3A_623 = tpu.vector_load %arg7[%get3A_620, %get3A_621, %get3A_622] {strides = array<i32>} : memref<6x64x128xf32, #tpu.memory_space<vmem>>, vector<16xf32>,
      %get3A_624 = arith.constant 1 : i32
      %get3A_625 = arith.index_cast %get3A_624 : i32 to index
      %get3A_626 = arith.index_cast %scan3A_599 : i32 to index
      %get3A_627 = arith.constant 16 : index
      %get3A_628 = tpu.vector_load %arg8[%get3A_625, %get3A_626, %get3A_627] {strides = array<i32>} : memref<6x64x128xf32, #tpu.memory_space<vmem>>, vector<16xf32>,
      %mul3A_629 = arith.mulf %get3A_623, %get3A_628 : vector<16xf32>
      %add3A_630 = arith.addf %scan3A_601, %mul3A_629 : vector<16xf32>
      %get3A_631 = arith.constant 1 : i32
      %get3A_632 = arith.index_cast %get3A_631 : i32 to index
      %get3A_633 = arith.index_cast %scan3A_599 : i32 to index
      %get3A_634 = arith.constant 32 : index
      %get3A_635 = tpu.vector_load %arg7[%get3A_632, %get3A_633, %get3A_634] {strides = array<i32>} : memref<6x64x128xf32, #tpu.memory_space<vmem>>, vector<16xf32>,
      %get3A_636 = arith.constant 1 : i32
      %get3A_637 = arith.index_cast %get3A_636 : i32 to index
      %get3A_638 = arith.index_cast %scan3A_599 : i32 to index
      %get3A_639 = arith.constant 32 : index
      %get3A_640 = tpu.vector_load %arg8[%get3A_637, %get3A_638, %get3A_639] {strides = array<i32>} : memref<6x64x128xf32, #tpu.memory_space<vmem>>, vector<16xf32>,
      %mul3A_641 = arith.mulf %get3A_635, %get3A_640 : vector<16xf32>
      %add3A_642 = arith.addf %scan3A_602, %mul3A_641 : vector<16xf32>
      %get3A_643 = arith.constant 1 : i32
      %get3A_644 = arith.index_cast %get3A_643 : i32 to index
      %get3A_645 = arith.index_cast %scan3A_599 : i32 to index
      %get3A_646 = arith.constant 48 : index
      %get3A_647 = tpu.vector_load %arg7[%get3A_644, %get3A_645, %get3A_646] {strides = array<i32>} : memref<6x64x128xf32, #tpu.memory_space<vmem>>, vector<16xf32>,
      %get3A_648 = arith.constant 1 : i32
      %get3A_649 = arith.index_cast %get3A_648 : i32 to index
      %get3A_650 = arith.index_cast %scan3A_599 : i32 to index
      %get3A_651 = arith.constant 48 : index
      %get3A_652 = tpu.vector_load %arg8[%get3A_649, %get3A_650, %get3A_651] {strides = array<i32>} : memref<6x64x128xf32, #tpu.memory_space<vmem>>, vector<16xf32>,
      %mul3A_653 = arith.mulf %get3A_647, %get3A_652 : vector<16xf32>
      %add3A_654 = arith.addf %scan3A_603, %mul3A_653 : vector<16xf32>
      %get3A_655 = arith.constant 1 : i32
      %get3A_656 = arith.index_cast %get3A_655 : i32 to index
      %get3A_657 = arith.index_cast %scan3A_599 : i32 to index
      %get3A_658 = arith.constant 64 : index
      %get3A_659 = tpu.vector_load %arg7[%get3A_656, %get3A_657, %get3A_658] {strides = array<i32>} : memref<6x64x128xf32, #tpu.memory_space<vmem>>, vector<16xf32>,
      %get3A_660 = arith.constant 1 : i32
      %get3A_661 = arith.index_cast %get3A_660 : i32 to index
      %get3A_662 = arith.index_cast %scan3A_599 : i32 to index
      %get3A_663 = arith.constant 64 : index
      %get3A_664 = tpu.vector_load %arg8[%get3A_661, %get3A_662, %get3A_663] {strides = array<i32>} : memref<6x64x128xf32, #tpu.memory_space<vmem>>, vector<16xf32>,
      %mul3A_665 = arith.mulf %get3A_659, %get3A_664 : vector<16xf32>
      %add3A_666 = arith.addf %scan3A_604, %mul3A_665 : vector<16xf32>
      %get3A_667 = arith.constant 1 : i32
      %get3A_668 = arith.index_cast %get3A_667 : i32 to index
      %get3A_669 = arith.index_cast %scan3A_599 : i32 to index
      %get3A_670 = arith.constant 80 : index
      %get3A_671 = tpu.vector_load %arg7[%get3A_668, %get3A_669, %get3A_670] {strides = array<i32>} : memref<6x64x128xf32, #tpu.memory_space<vmem>>, vector<16xf32>,
      %get3A_672 = arith.constant 1 : i32
      %get3A_673 = arith.index_cast %get3A_672 : i32 to index
      %get3A_674 = arith.index_cast %scan3A_599 : i32 to index
      %get3A_675 = arith.constant 80 : index
      %get3A_676 = tpu.vector_load %arg8[%get3A_673, %get3A_674, %get3A_675] {strides = array<i32>} : memref<6x64x128xf32, #tpu.memory_space<vmem>>, vector<16xf32>,
      %mul3A_677 = arith.mulf %get3A_671, %get3A_676 : vector<16xf32>
      %add3A_678 = arith.addf %scan3A_605, %mul3A_677 : vector<16xf32>
      %get3A_679 = arith.constant 1 : i32
      %get3A_680 = arith.index_cast %get3A_679 : i32 to index
      %get3A_681 = arith.index_cast %scan3A_599 : i32 to index
      %get3A_682 = arith.constant 96 : index
      %get3A_683 = tpu.vector_load %arg7[%get3A_680, %get3A_681, %get3A_682] {strides = array<i32>} : memref<6x64x128xf32, #tpu.memory_space<vmem>>, vector<16xf32>,
      %get3A_684 = arith.constant 1 : i32
      %get3A_685 = arith.index_cast %get3A_684 : i32 to index
      %get3A_686 = arith.index_cast %scan3A_599 : i32 to index
      %get3A_687 = arith.constant 96 : index
      %get3A_688 = tpu.vector_load %arg8[%get3A_685, %get3A_686, %get3A_687] {strides = array<i32>} : memref<6x64x128xf32, #tpu.memory_space<vmem>>, vector<16xf32>,
      %mul3A_689 = arith.mulf %get3A_683, %get3A_688 : vector<16xf32>
      %add3A_690 = arith.addf %scan3A_606, %mul3A_689 : vector<16xf32>
      %get3A_691 = arith.constant 1 : i32
      %get3A_692 = arith.index_cast %get3A_691 : i32 to index
      %get3A_693 = arith.index_cast %scan3A_599 : i32 to index
      %get3A_694 = arith.constant 112 : index
      %get3A_695 = tpu.vector_load %arg7[%get3A_692, %get3A_693, %get3A_694] {strides = array<i32>} : memref<6x64x128xf32, #tpu.memory_space<vmem>>, vector<16xf32>,
      %get3A_696 = arith.constant 1 : i32
      %get3A_697 = arith.index_cast %get3A_696 : i32 to index
      %get3A_698 = arith.index_cast %scan3A_599 : i32 to index
      %get3A_699 = arith.constant 112 : index
      %get3A_700 = tpu.vector_load %arg8[%get3A_697, %get3A_698, %get3A_699] {strides = array<i32>} : memref<6x64x128xf32, #tpu.memory_space<vmem>>, vector<16xf32>,
      %mul3A_701 = arith.mulf %get3A_695, %get3A_700 : vector<16xf32>
      %add3A_702 = arith.addf %scan3A_607, %mul3A_701 : vector<16xf32>
      scf.yield %add3A_618, %add3A_630, %add3A_642, %add3A_654, %add3A_666, %add3A_678, %add3A_690, %add3A_702 : vector<16xf32>, vector<16xf32>, vector<16xf32>, vector<16xf32>, vector<16xf32>, vector<16xf32>, vector<16xf32>, vector<16xf32>
    }
    %scan3A_328 = arith.constant 64 : i32
    %dma_start3A_329 = arith.constant 1 : i32
    %dma_start3A_330 = arith.constant 0 : i32
    %dma_start3A_331 = arith.constant 0 : i32
    %dma_start3A_332 = tpu.memref_slice %arg7[%dma_start3A_329, %dma_start3A_330, %dma_start3A_331] : memref<6x64x128xf32, #tpu.memory_space<vmem>> -> memref<1x64x128xf32, #tpu.memory_space<vmem>>
    %dma_start3A_333 = tpu.memref_squeeze %dma_start3A_332 : memref<1x64x128xf32, #tpu.memory_space<vmem>> -> memref<64x128xf32, #tpu.memory_space<vmem>>
    %dma_start3A_334 = arith.constant 0 : i32
    %dma_start3A_335 = arith.constant 0 : i32
    %dma_start3A_336 = tpu.memref_slice %dma_start3A_333[%dma_start3A_334, %dma_start3A_335] : memref<64x128xf32, #tpu.memory_space<vmem>> -> memref<64x128xf32, #tpu.memory_space<vmem>>
    %dma_start3A_337 = arith.constant 448 : i32
    %dma_start3A_338 = tpu.memref_slice %arg6[%dma_start3A_337] : memref<512xi32, #tpu.memory_space<vmem>> -> memref<64xi32, #tpu.memory_space<vmem>>
    %dma_start3A_339 = arith.constant 0 : i32
    %dma_start3A_340 = arith.constant 0 : i32
    %dma_start3A_341 = tpu.memref_slice %arg4[%dma_start3A_339, %dma_start3A_340] : memref<1000000x128xf32, #tpu.memory_space<hbm>> -> memref<1000000x128xf32, #tpu.memory_space<hbm>>
    tpu.enqueue_indirect_dma source(%dma_start3A_341 : memref<1000000x128xf32, #tpu.memory_space<hbm>>) target(%dma_start3A_336 : memref<64x128xf32, #tpu.memory_space<vmem>>) offsets(%dma_start3A_338 : memref<64xi32, #tpu.memory_space<vmem>>) semaphore(%arg11 : memref<!tpu.dma_semaphore, #tpu.memory_space<semaphore_mem>>)
    %add3A_342 = arith.constant 448 : i32
    %add3A_343 = arith.addi %mul3A_2, %add3A_342 : i32
    %dma_start3A_344 = arith.constant 1 : i32
    %dma_start3A_345 = arith.constant 0 : i32
    %dma_start3A_346 = arith.constant 0 : i32
    %dma_start3A_347 = tpu.memref_slice %arg8[%dma_start3A_344, %dma_start3A_345, %dma_start3A_346] : memref<6x64x128xf32, #tpu.memory_space<vmem>> -> memref<1x64x128xf32, #tpu.memory_space<vmem>>
    %dma_start3A_348 = tpu.memref_squeeze %dma_start3A_347 : memref<1x64x128xf32, #tpu.memory_space<vmem>> -> memref<64x128xf32, #tpu.memory_space<vmem>>
    %dma_start3A_349 = arith.constant 0 : i32
    %dma_start3A_350 = arith.constant 0 : i32
    %dma_start3A_351 = tpu.memref_slice %dma_start3A_348[%dma_start3A_349, %dma_start3A_350] : memref<64x128xf32, #tpu.memory_space<vmem>> -> memref<64x128xf32, #tpu.memory_space<vmem>>
    %dma_start3A_352 = arith.constant 0 : i32
    %dma_start3A_353 = tpu.memref_slice %arg2[%add3A_343, %dma_start3A_352] : memref<16384x128xf32, #tpu.memory_space<hbm>> -> memref<64x128xf32, #tpu.memory_space<hbm>>
    %dma_start3A_354 = arith.constant 0 : i32
    %dma_start3A_355 = arith.constant 0 : i32
    %dma_start3A_356 = tpu.memref_slice %arg8[%dma_start3A_344, %dma_start3A_354, %dma_start3A_355] : memref<6x64x128xf32, #tpu.memory_space<vmem>> -> memref<1x64x128xf32, #tpu.memory_space<vmem>>
    %dma_start3A_357 = tpu.memref_squeeze %dma_start3A_356 : memref<1x64x128xf32, #tpu.memory_space<vmem>> -> memref<64x128xf32, #tpu.memory_space<vmem>>
    %dma_start3A_358 = arith.constant 0 : i32
    %dma_start3A_359 = arith.constant 0 : i32
    %dma_start3A_360 = tpu.memref_slice %dma_start3A_357[%dma_start3A_358, %dma_start3A_359] : memref<64x128xf32, #tpu.memory_space<vmem>> -> memref<64x128xf32, #tpu.memory_space<vmem>>
    %dma_start3A_361 = arith.constant 0 : i32
    %dma_start3A_362 = tpu.memref_slice %arg2[%add3A_343, %dma_start3A_361] : memref<16384x128xf32, #tpu.memory_space<hbm>> -> memref<64x128xf32, #tpu.memory_space<hbm>>
    tpu.enqueue_dma source(%dma_start3A_362 : memref<64x128xf32, #tpu.memory_space<hbm>>) target(%dma_start3A_360 : memref<64x128xf32, #tpu.memory_space<vmem>>) target_semaphore(%arg17 : memref<!tpu.dma_semaphore, #tpu.memory_space<semaphore_mem>>)
    %dma_wait3A_363 = arith.constant 2 : i32
    %dma_wait3A_364 = arith.constant 0 : i32
    %dma_wait3A_365 = arith.constant 0 : i32
    %dma_wait3A_366 = tpu.memref_slice %arg7[%dma_wait3A_363, %dma_wait3A_364, %dma_wait3A_365] : memref<6x64x128xf32, #tpu.memory_space<vmem>> -> memref<1x64x128xf32, #tpu.memory_space<vmem>>
    %dma_wait3A_367 = tpu.memref_squeeze %dma_wait3A_366 : memref<1x64x128xf32, #tpu.memory_space<vmem>> -> memref<64x128xf32, #tpu.memory_space<vmem>>
    %dma_wait3A_368 = arith.constant 0 : i32
    %dma_wait3A_369 = arith.constant 0 : i32
    %dma_wait3A_370 = tpu.memref_slice %dma_wait3A_367[%dma_wait3A_368, %dma_wait3A_369] : memref<64x128xf32, #tpu.memory_space<vmem>> -> memref<64x128xf32, #tpu.memory_space<vmem>>
    %dma_wait3A_371 = arith.constant 128 : i32
    %dma_wait3A_372 = tpu.memref_slice %arg6[%dma_wait3A_371] : memref<512xi32, #tpu.memory_space<vmem>> -> memref<64xi32, #tpu.memory_space<vmem>>
    %dma_wait3A_373 = arith.constant 0 : i32
    %dma_wait3A_374 = arith.constant 0 : i32
    %dma_wait3A_375 = tpu.memref_slice %arg4[%dma_wait3A_373, %dma_wait3A_374] : memref<1000000x128xf32, #tpu.memory_space<hbm>> -> memref<1000000x128xf32, #tpu.memory_space<hbm>>
    tpu.wait_indirect_dma semaphore(%arg12 : memref<!tpu.dma_semaphore, #tpu.memory_space<semaphore_mem>>) src(%dma_wait3A_375 : memref<1000000x128xf32, #tpu.memory_space<hbm>>) dst(%dma_wait3A_370 : memref<64x128xf32, #tpu.memory_space<vmem>>)
    %dma_wait3A_376 = arith.constant 2 : i32
    %dma_wait3A_377 = arith.constant 0 : i32
    %dma_wait3A_378 = arith.constant 0 : i32
    %dma_wait3A_379 = tpu.memref_slice %arg8[%dma_wait3A_376, %dma_wait3A_377, %dma_wait3A_378] : memref<6x64x128xf32, #tpu.memory_space<vmem>> -> memref<1x64x128xf32, #tpu.memory_space<vmem>>
    %dma_wait3A_380 = tpu.memref_squeeze %dma_wait3A_379 : memref<1x64x128xf32, #tpu.memory_space<vmem>> -> memref<64x128xf32, #tpu.memory_space<vmem>>
    %dma_wait3A_381 = arith.constant 0 : i32
    %dma_wait3A_382 = arith.constant 0 : i32
    %dma_wait3A_383 = tpu.memref_slice %dma_wait3A_380[%dma_wait3A_381, %dma_wait3A_382] : memref<64x128xf32, #tpu.memory_space<vmem>> -> memref<64x128xf32, #tpu.memory_space<vmem>>
    %dma_wait3A_384 = arith.constant 0 : i32
    %dma_wait3A_385 = tpu.memref_slice %arg2[%add3A_84, %dma_wait3A_384] : memref<16384x128xf32, #tpu.memory_space<hbm>> -> memref<64x128xf32, #tpu.memory_space<hbm>>
    %dma_wait3A_386 = arith.constant 0 : i32
    %dma_wait3A_387 = arith.constant 0 : i32
    %dma_wait3A_388 = tpu.memref_slice %arg8[%dma_wait3A_376, %dma_wait3A_386, %dma_wait3A_387] : memref<6x64x128xf32, #tpu.memory_space<vmem>> -> memref<1x64x128xf32, #tpu.memory_space<vmem>>
    %dma_wait3A_389 = tpu.memref_squeeze %dma_wait3A_388 : memref<1x64x128xf32, #tpu.memory_space<vmem>> -> memref<64x128xf32, #tpu.memory_space<vmem>>
    %dma_wait3A_390 = arith.constant 0 : i32
    %dma_wait3A_391 = arith.constant 0 : i32
    %dma_wait3A_392 = tpu.memref_slice %dma_wait3A_389[%dma_wait3A_390, %dma_wait3A_391] : memref<64x128xf32, #tpu.memory_space<vmem>> -> memref<64x128xf32, #tpu.memory_space<vmem>>
    %dma_wait3A_393 = arith.constant 0 : i32
    %dma_wait3A_394 = tpu.memref_slice %arg2[%add3A_84, %dma_wait3A_393] : memref<16384x128xf32, #tpu.memory_space<hbm>> -> memref<64x128xf32, #tpu.memory_space<hbm>>
    tpu.wait_dma2 semaphore(%arg18 : memref<!tpu.dma_semaphore, #tpu.memory_space<semaphore_mem>>) src(%dma_wait3A_394 : memref<64x128xf32, #tpu.memory_space<hbm>>) dst(%dma_wait3A_392 : memref<64x128xf32, #tpu.memory_space<vmem>>)
    %scan3A_395 = arith.constant 0 : i32
    %scan3A_396 = arith.constant 64 : i32
    %scan3A_397 = arith.addi %scan3A_395, %scan3A_396 : i32
    %scan3A_398 = arith.constant 1 : i32
    %scan3A_399:8 = scf.for %scan3A_599 = %scan3A_395 to %scan3A_397 step %scan3A_398 iter_args(%scan3A_600 = %scan3A_327#0, %scan3A_601 = %scan3A_327#1, %scan3A_602 = %scan3A_327#2, %scan3A_603 = %scan3A_327#3, %scan3A_604 = %scan3A_327#4, %scan3A_605 = %scan3A_327#5, %scan3A_606 = %scan3A_327#6, %scan3A_607 = %scan3A_327#7) -> (vector<16xf32>, vector<16xf32>, vector<16xf32>, vector<16xf32>, vector<16xf32>, vector<16xf32>, vector<16xf32>, vector<16xf32>)  : i32 {
      %get3A = arith.constant 2 : i32
      %get3A_608 = arith.index_cast %get3A : i32 to index
      %get3A_609 = arith.index_cast %scan3A_599 : i32 to index
      %get3A_610 = arith.constant 0 : index
      %get3A_611 = tpu.vector_load %arg7[%get3A_608, %get3A_609, %get3A_610] {strides = array<i32>} : memref<6x64x128xf32, #tpu.memory_space<vmem>>, vector<16xf32>,
      %get3A_612 = arith.constant 2 : i32
      %get3A_613 = arith.index_cast %get3A_612 : i32 to index
      %get3A_614 = arith.index_cast %scan3A_599 : i32 to index
      %get3A_615 = arith.constant 0 : index
      %get3A_616 = tpu.vector_load %arg8[%get3A_613, %get3A_614, %get3A_615] {strides = array<i32>} : memref<6x64x128xf32, #tpu.memory_space<vmem>>, vector<16xf32>,
      %mul3A_617 = arith.mulf %get3A_611, %get3A_616 : vector<16xf32>
      %add3A_618 = arith.addf %scan3A_600, %mul3A_617 : vector<16xf32>
      %get3A_619 = arith.constant 2 : i32
      %get3A_620 = arith.index_cast %get3A_619 : i32 to index
      %get3A_621 = arith.index_cast %scan3A_599 : i32 to index
      %get3A_622 = arith.constant 16 : index
      %get3A_623 = tpu.vector_load %arg7[%get3A_620, %get3A_621, %get3A_622] {strides = array<i32>} : memref<6x64x128xf32, #tpu.memory_space<vmem>>, vector<16xf32>,
      %get3A_624 = arith.constant 2 : i32
      %get3A_625 = arith.index_cast %get3A_624 : i32 to index
      %get3A_626 = arith.index_cast %scan3A_599 : i32 to index
      %get3A_627 = arith.constant 16 : index
      %get3A_628 = tpu.vector_load %arg8[%get3A_625, %get3A_626, %get3A_627] {strides = array<i32>} : memref<6x64x128xf32, #tpu.memory_space<vmem>>, vector<16xf32>,
      %mul3A_629 = arith.mulf %get3A_623, %get3A_628 : vector<16xf32>
      %add3A_630 = arith.addf %scan3A_601, %mul3A_629 : vector<16xf32>
      %get3A_631 = arith.constant 2 : i32
      %get3A_632 = arith.index_cast %get3A_631 : i32 to index
      %get3A_633 = arith.index_cast %scan3A_599 : i32 to index
      %get3A_634 = arith.constant 32 : index
      %get3A_635 = tpu.vector_load %arg7[%get3A_632, %get3A_633, %get3A_634] {strides = array<i32>} : memref<6x64x128xf32, #tpu.memory_space<vmem>>, vector<16xf32>,
      %get3A_636 = arith.constant 2 : i32
      %get3A_637 = arith.index_cast %get3A_636 : i32 to index
      %get3A_638 = arith.index_cast %scan3A_599 : i32 to index
      %get3A_639 = arith.constant 32 : index
      %get3A_640 = tpu.vector_load %arg8[%get3A_637, %get3A_638, %get3A_639] {strides = array<i32>} : memref<6x64x128xf32, #tpu.memory_space<vmem>>, vector<16xf32>,
      %mul3A_641 = arith.mulf %get3A_635, %get3A_640 : vector<16xf32>
      %add3A_642 = arith.addf %scan3A_602, %mul3A_641 : vector<16xf32>
      %get3A_643 = arith.constant 2 : i32
      %get3A_644 = arith.index_cast %get3A_643 : i32 to index
      %get3A_645 = arith.index_cast %scan3A_599 : i32 to index
      %get3A_646 = arith.constant 48 : index
      %get3A_647 = tpu.vector_load %arg7[%get3A_644, %get3A_645, %get3A_646] {strides = array<i32>} : memref<6x64x128xf32, #tpu.memory_space<vmem>>, vector<16xf32>,
      %get3A_648 = arith.constant 2 : i32
      %get3A_649 = arith.index_cast %get3A_648 : i32 to index
      %get3A_650 = arith.index_cast %scan3A_599 : i32 to index
      %get3A_651 = arith.constant 48 : index
      %get3A_652 = tpu.vector_load %arg8[%get3A_649, %get3A_650, %get3A_651] {strides = array<i32>} : memref<6x64x128xf32, #tpu.memory_space<vmem>>, vector<16xf32>,
      %mul3A_653 = arith.mulf %get3A_647, %get3A_652 : vector<16xf32>
      %add3A_654 = arith.addf %scan3A_603, %mul3A_653 : vector<16xf32>
      %get3A_655 = arith.constant 2 : i32
      %get3A_656 = arith.index_cast %get3A_655 : i32 to index
      %get3A_657 = arith.index_cast %scan3A_599 : i32 to index
      %get3A_658 = arith.constant 64 : index
      %get3A_659 = tpu.vector_load %arg7[%get3A_656, %get3A_657, %get3A_658] {strides = array<i32>} : memref<6x64x128xf32, #tpu.memory_space<vmem>>, vector<16xf32>,
      %get3A_660 = arith.constant 2 : i32
      %get3A_661 = arith.index_cast %get3A_660 : i32 to index
      %get3A_662 = arith.index_cast %scan3A_599 : i32 to index
      %get3A_663 = arith.constant 64 : index
      %get3A_664 = tpu.vector_load %arg8[%get3A_661, %get3A_662, %get3A_663] {strides = array<i32>} : memref<6x64x128xf32, #tpu.memory_space<vmem>>, vector<16xf32>,
      %mul3A_665 = arith.mulf %get3A_659, %get3A_664 : vector<16xf32>
      %add3A_666 = arith.addf %scan3A_604, %mul3A_665 : vector<16xf32>
      %get3A_667 = arith.constant 2 : i32
      %get3A_668 = arith.index_cast %get3A_667 : i32 to index
      %get3A_669 = arith.index_cast %scan3A_599 : i32 to index
      %get3A_670 = arith.constant 80 : index
      %get3A_671 = tpu.vector_load %arg7[%get3A_668, %get3A_669, %get3A_670] {strides = array<i32>} : memref<6x64x128xf32, #tpu.memory_space<vmem>>, vector<16xf32>,
      %get3A_672 = arith.constant 2 : i32
      %get3A_673 = arith.index_cast %get3A_672 : i32 to index
      %get3A_674 = arith.index_cast %scan3A_599 : i32 to index
      %get3A_675 = arith.constant 80 : index
      %get3A_676 = tpu.vector_load %arg8[%get3A_673, %get3A_674, %get3A_675] {strides = array<i32>} : memref<6x64x128xf32, #tpu.memory_space<vmem>>, vector<16xf32>,
      %mul3A_677 = arith.mulf %get3A_671, %get3A_676 : vector<16xf32>
      %add3A_678 = arith.addf %scan3A_605, %mul3A_677 : vector<16xf32>
      %get3A_679 = arith.constant 2 : i32
      %get3A_680 = arith.index_cast %get3A_679 : i32 to index
      %get3A_681 = arith.index_cast %scan3A_599 : i32 to index
      %get3A_682 = arith.constant 96 : index
      %get3A_683 = tpu.vector_load %arg7[%get3A_680, %get3A_681, %get3A_682] {strides = array<i32>} : memref<6x64x128xf32, #tpu.memory_space<vmem>>, vector<16xf32>,
      %get3A_684 = arith.constant 2 : i32
      %get3A_685 = arith.index_cast %get3A_684 : i32 to index
      %get3A_686 = arith.index_cast %scan3A_599 : i32 to index
      %get3A_687 = arith.constant 96 : index
      %get3A_688 = tpu.vector_load %arg8[%get3A_685, %get3A_686, %get3A_687] {strides = array<i32>} : memref<6x64x128xf32, #tpu.memory_space<vmem>>, vector<16xf32>,
      %mul3A_689 = arith.mulf %get3A_683, %get3A_688 : vector<16xf32>
      %add3A_690 = arith.addf %scan3A_606, %mul3A_689 : vector<16xf32>
      %get3A_691 = arith.constant 2 : i32
      %get3A_692 = arith.index_cast %get3A_691 : i32 to index
      %get3A_693 = arith.index_cast %scan3A_599 : i32 to index
      %get3A_694 = arith.constant 112 : index
      %get3A_695 = tpu.vector_load %arg7[%get3A_692, %get3A_693, %get3A_694] {strides = array<i32>} : memref<6x64x128xf32, #tpu.memory_space<vmem>>, vector<16xf32>,
      %get3A_696 = arith.constant 2 : i32
      %get3A_697 = arith.index_cast %get3A_696 : i32 to index
      %get3A_698 = arith.index_cast %scan3A_599 : i32 to index
      %get3A_699 = arith.constant 112 : index
      %get3A_700 = tpu.vector_load %arg8[%get3A_697, %get3A_698, %get3A_699] {strides = array<i32>} : memref<6x64x128xf32, #tpu.memory_space<vmem>>, vector<16xf32>,
      %mul3A_701 = arith.mulf %get3A_695, %get3A_700 : vector<16xf32>
      %add3A_702 = arith.addf %scan3A_607, %mul3A_701 : vector<16xf32>
      scf.yield %add3A_618, %add3A_630, %add3A_642, %add3A_654, %add3A_666, %add3A_678, %add3A_690, %add3A_702 : vector<16xf32>, vector<16xf32>, vector<16xf32>, vector<16xf32>, vector<16xf32>, vector<16xf32>, vector<16xf32>, vector<16xf32>
    }
    %scan3A_400 = arith.constant 64 : i32
    %dma_wait3A_401 = arith.constant 3 : i32
    %dma_wait3A_402 = arith.constant 0 : i32
    %dma_wait3A_403 = arith.constant 0 : i32
    %dma_wait3A_404 = tpu.memref_slice %arg7[%dma_wait3A_401, %dma_wait3A_402, %dma_wait3A_403] : memref<6x64x128xf32, #tpu.memory_space<vmem>> -> memref<1x64x128xf32, #tpu.memory_space<vmem>>
    %dma_wait3A_405 = tpu.memref_squeeze %dma_wait3A_404 : memref<1x64x128xf32, #tpu.memory_space<vmem>> -> memref<64x128xf32, #tpu.memory_space<vmem>>
    %dma_wait3A_406 = arith.constant 0 : i32
    %dma_wait3A_407 = arith.constant 0 : i32
    %dma_wait3A_408 = tpu.memref_slice %dma_wait3A_405[%dma_wait3A_406, %dma_wait3A_407] : memref<64x128xf32, #tpu.memory_space<vmem>> -> memref<64x128xf32, #tpu.memory_space<vmem>>
    %dma_wait3A_409 = arith.constant 192 : i32
    %dma_wait3A_410 = tpu.memref_slice %arg6[%dma_wait3A_409] : memref<512xi32, #tpu.memory_space<vmem>> -> memref<64xi32, #tpu.memory_space<vmem>>
    %dma_wait3A_411 = arith.constant 0 : i32
    %dma_wait3A_412 = arith.constant 0 : i32
    %dma_wait3A_413 = tpu.memref_slice %arg4[%dma_wait3A_411, %dma_wait3A_412] : memref<1000000x128xf32, #tpu.memory_space<hbm>> -> memref<1000000x128xf32, #tpu.memory_space<hbm>>
    tpu.wait_indirect_dma semaphore(%arg13 : memref<!tpu.dma_semaphore, #tpu.memory_space<semaphore_mem>>) src(%dma_wait3A_413 : memref<1000000x128xf32, #tpu.memory_space<hbm>>) dst(%dma_wait3A_408 : memref<64x128xf32, #tpu.memory_space<vmem>>)
    %dma_wait3A_414 = arith.constant 3 : i32
    %dma_wait3A_415 = arith.constant 0 : i32
    %dma_wait3A_416 = arith.constant 0 : i32
    %dma_wait3A_417 = tpu.memref_slice %arg8[%dma_wait3A_414, %dma_wait3A_415, %dma_wait3A_416] : memref<6x64x128xf32, #tpu.memory_space<vmem>> -> memref<1x64x128xf32, #tpu.memory_space<vmem>>
    %dma_wait3A_418 = tpu.memref_squeeze %dma_wait3A_417 : memref<1x64x128xf32, #tpu.memory_space<vmem>> -> memref<64x128xf32, #tpu.memory_space<vmem>>
    %dma_wait3A_419 = arith.constant 0 : i32
    %dma_wait3A_420 = arith.constant 0 : i32
    %dma_wait3A_421 = tpu.memref_slice %dma_wait3A_418[%dma_wait3A_419, %dma_wait3A_420] : memref<64x128xf32, #tpu.memory_space<vmem>> -> memref<64x128xf32, #tpu.memory_space<vmem>>
    %dma_wait3A_422 = arith.constant 0 : i32
    %dma_wait3A_423 = tpu.memref_slice %arg2[%add3A_118, %dma_wait3A_422] : memref<16384x128xf32, #tpu.memory_space<hbm>> -> memref<64x128xf32, #tpu.memory_space<hbm>>
    %dma_wait3A_424 = arith.constant 0 : i32
    %dma_wait3A_425 = arith.constant 0 : i32
    %dma_wait3A_426 = tpu.memref_slice %arg8[%dma_wait3A_414, %dma_wait3A_424, %dma_wait3A_425] : memref<6x64x128xf32, #tpu.memory_space<vmem>> -> memref<1x64x128xf32, #tpu.memory_space<vmem>>
    %dma_wait3A_427 = tpu.memref_squeeze %dma_wait3A_426 : memref<1x64x128xf32, #tpu.memory_space<vmem>> -> memref<64x128xf32, #tpu.memory_space<vmem>>
    %dma_wait3A_428 = arith.constant 0 : i32
    %dma_wait3A_429 = arith.constant 0 : i32
    %dma_wait3A_430 = tpu.memref_slice %dma_wait3A_427[%dma_wait3A_428, %dma_wait3A_429] : memref<64x128xf32, #tpu.memory_space<vmem>> -> memref<64x128xf32, #tpu.memory_space<vmem>>
    %dma_wait3A_431 = arith.constant 0 : i32
    %dma_wait3A_432 = tpu.memref_slice %arg2[%add3A_118, %dma_wait3A_431] : memref<16384x128xf32, #tpu.memory_space<hbm>> -> memref<64x128xf32, #tpu.memory_space<hbm>>
    tpu.wait_dma2 semaphore(%arg19 : memref<!tpu.dma_semaphore, #tpu.memory_space<semaphore_mem>>) src(%dma_wait3A_432 : memref<64x128xf32, #tpu.memory_space<hbm>>) dst(%dma_wait3A_430 : memref<64x128xf32, #tpu.memory_space<vmem>>)
    %scan3A_433 = arith.constant 0 : i32
    %scan3A_434 = arith.constant 64 : i32
    %scan3A_435 = arith.addi %scan3A_433, %scan3A_434 : i32
    %scan3A_436 = arith.constant 1 : i32
    %scan3A_437:8 = scf.for %scan3A_599 = %scan3A_433 to %scan3A_435 step %scan3A_436 iter_args(%scan3A_600 = %scan3A_399#0, %scan3A_601 = %scan3A_399#1, %scan3A_602 = %scan3A_399#2, %scan3A_603 = %scan3A_399#3, %scan3A_604 = %scan3A_399#4, %scan3A_605 = %scan3A_399#5, %scan3A_606 = %scan3A_399#6, %scan3A_607 = %scan3A_399#7) -> (vector<16xf32>, vector<16xf32>, vector<16xf32>, vector<16xf32>, vector<16xf32>, vector<16xf32>, vector<16xf32>, vector<16xf32>)  : i32 {
      %get3A = arith.constant 3 : i32
      %get3A_608 = arith.index_cast %get3A : i32 to index
      %get3A_609 = arith.index_cast %scan3A_599 : i32 to index
      %get3A_610 = arith.constant 0 : index
      %get3A_611 = tpu.vector_load %arg7[%get3A_608, %get3A_609, %get3A_610] {strides = array<i32>} : memref<6x64x128xf32, #tpu.memory_space<vmem>>, vector<16xf32>,
      %get3A_612 = arith.constant 3 : i32
      %get3A_613 = arith.index_cast %get3A_612 : i32 to index
      %get3A_614 = arith.index_cast %scan3A_599 : i32 to index
      %get3A_615 = arith.constant 0 : index
      %get3A_616 = tpu.vector_load %arg8[%get3A_613, %get3A_614, %get3A_615] {strides = array<i32>} : memref<6x64x128xf32, #tpu.memory_space<vmem>>, vector<16xf32>,
      %mul3A_617 = arith.mulf %get3A_611, %get3A_616 : vector<16xf32>
      %add3A_618 = arith.addf %scan3A_600, %mul3A_617 : vector<16xf32>
      %get3A_619 = arith.constant 3 : i32
      %get3A_620 = arith.index_cast %get3A_619 : i32 to index
      %get3A_621 = arith.index_cast %scan3A_599 : i32 to index
      %get3A_622 = arith.constant 16 : index
      %get3A_623 = tpu.vector_load %arg7[%get3A_620, %get3A_621, %get3A_622] {strides = array<i32>} : memref<6x64x128xf32, #tpu.memory_space<vmem>>, vector<16xf32>,
      %get3A_624 = arith.constant 3 : i32
      %get3A_625 = arith.index_cast %get3A_624 : i32 to index
      %get3A_626 = arith.index_cast %scan3A_599 : i32 to index
      %get3A_627 = arith.constant 16 : index
      %get3A_628 = tpu.vector_load %arg8[%get3A_625, %get3A_626, %get3A_627] {strides = array<i32>} : memref<6x64x128xf32, #tpu.memory_space<vmem>>, vector<16xf32>,
      %mul3A_629 = arith.mulf %get3A_623, %get3A_628 : vector<16xf32>
      %add3A_630 = arith.addf %scan3A_601, %mul3A_629 : vector<16xf32>
      %get3A_631 = arith.constant 3 : i32
      %get3A_632 = arith.index_cast %get3A_631 : i32 to index
      %get3A_633 = arith.index_cast %scan3A_599 : i32 to index
      %get3A_634 = arith.constant 32 : index
      %get3A_635 = tpu.vector_load %arg7[%get3A_632, %get3A_633, %get3A_634] {strides = array<i32>} : memref<6x64x128xf32, #tpu.memory_space<vmem>>, vector<16xf32>,
      %get3A_636 = arith.constant 3 : i32
      %get3A_637 = arith.index_cast %get3A_636 : i32 to index
      %get3A_638 = arith.index_cast %scan3A_599 : i32 to index
      %get3A_639 = arith.constant 32 : index
      %get3A_640 = tpu.vector_load %arg8[%get3A_637, %get3A_638, %get3A_639] {strides = array<i32>} : memref<6x64x128xf32, #tpu.memory_space<vmem>>, vector<16xf32>,
      %mul3A_641 = arith.mulf %get3A_635, %get3A_640 : vector<16xf32>
      %add3A_642 = arith.addf %scan3A_602, %mul3A_641 : vector<16xf32>
      %get3A_643 = arith.constant 3 : i32
      %get3A_644 = arith.index_cast %get3A_643 : i32 to index
      %get3A_645 = arith.index_cast %scan3A_599 : i32 to index
      %get3A_646 = arith.constant 48 : index
      %get3A_647 = tpu.vector_load %arg7[%get3A_644, %get3A_645, %get3A_646] {strides = array<i32>} : memref<6x64x128xf32, #tpu.memory_space<vmem>>, vector<16xf32>,
      %get3A_648 = arith.constant 3 : i32
      %get3A_649 = arith.index_cast %get3A_648 : i32 to index
      %get3A_650 = arith.index_cast %scan3A_599 : i32 to index
      %get3A_651 = arith.constant 48 : index
      %get3A_652 = tpu.vector_load %arg8[%get3A_649, %get3A_650, %get3A_651] {strides = array<i32>} : memref<6x64x128xf32, #tpu.memory_space<vmem>>, vector<16xf32>,
      %mul3A_653 = arith.mulf %get3A_647, %get3A_652 : vector<16xf32>
      %add3A_654 = arith.addf %scan3A_603, %mul3A_653 : vector<16xf32>
      %get3A_655 = arith.constant 3 : i32
      %get3A_656 = arith.index_cast %get3A_655 : i32 to index
      %get3A_657 = arith.index_cast %scan3A_599 : i32 to index
      %get3A_658 = arith.constant 64 : index
      %get3A_659 = tpu.vector_load %arg7[%get3A_656, %get3A_657, %get3A_658] {strides = array<i32>} : memref<6x64x128xf32, #tpu.memory_space<vmem>>, vector<16xf32>,
      %get3A_660 = arith.constant 3 : i32
      %get3A_661 = arith.index_cast %get3A_660 : i32 to index
      %get3A_662 = arith.index_cast %scan3A_599 : i32 to index
      %get3A_663 = arith.constant 64 : index
      %get3A_664 = tpu.vector_load %arg8[%get3A_661, %get3A_662, %get3A_663] {strides = array<i32>} : memref<6x64x128xf32, #tpu.memory_space<vmem>>, vector<16xf32>,
      %mul3A_665 = arith.mulf %get3A_659, %get3A_664 : vector<16xf32>
      %add3A_666 = arith.addf %scan3A_604, %mul3A_665 : vector<16xf32>
      %get3A_667 = arith.constant 3 : i32
      %get3A_668 = arith.index_cast %get3A_667 : i32 to index
      %get3A_669 = arith.index_cast %scan3A_599 : i32 to index
      %get3A_670 = arith.constant 80 : index
      %get3A_671 = tpu.vector_load %arg7[%get3A_668, %get3A_669, %get3A_670] {strides = array<i32>} : memref<6x64x128xf32, #tpu.memory_space<vmem>>, vector<16xf32>,
      %get3A_672 = arith.constant 3 : i32
      %get3A_673 = arith.index_cast %get3A_672 : i32 to index
      %get3A_674 = arith.index_cast %scan3A_599 : i32 to index
      %get3A_675 = arith.constant 80 : index
      %get3A_676 = tpu.vector_load %arg8[%get3A_673, %get3A_674, %get3A_675] {strides = array<i32>} : memref<6x64x128xf32, #tpu.memory_space<vmem>>, vector<16xf32>,
      %mul3A_677 = arith.mulf %get3A_671, %get3A_676 : vector<16xf32>
      %add3A_678 = arith.addf %scan3A_605, %mul3A_677 : vector<16xf32>
      %get3A_679 = arith.constant 3 : i32
      %get3A_680 = arith.index_cast %get3A_679 : i32 to index
      %get3A_681 = arith.index_cast %scan3A_599 : i32 to index
      %get3A_682 = arith.constant 96 : index
      %get3A_683 = tpu.vector_load %arg7[%get3A_680, %get3A_681, %get3A_682] {strides = array<i32>} : memref<6x64x128xf32, #tpu.memory_space<vmem>>, vector<16xf32>,
      %get3A_684 = arith.constant 3 : i32
      %get3A_685 = arith.index_cast %get3A_684 : i32 to index
      %get3A_686 = arith.index_cast %scan3A_599 : i32 to index
      %get3A_687 = arith.constant 96 : index
      %get3A_688 = tpu.vector_load %arg8[%get3A_685, %get3A_686, %get3A_687] {strides = array<i32>} : memref<6x64x128xf32, #tpu.memory_space<vmem>>, vector<16xf32>,
      %mul3A_689 = arith.mulf %get3A_683, %get3A_688 : vector<16xf32>
      %add3A_690 = arith.addf %scan3A_606, %mul3A_689 : vector<16xf32>
      %get3A_691 = arith.constant 3 : i32
      %get3A_692 = arith.index_cast %get3A_691 : i32 to index
      %get3A_693 = arith.index_cast %scan3A_599 : i32 to index
      %get3A_694 = arith.constant 112 : index
      %get3A_695 = tpu.vector_load %arg7[%get3A_692, %get3A_693, %get3A_694] {strides = array<i32>} : memref<6x64x128xf32, #tpu.memory_space<vmem>>, vector<16xf32>,
      %get3A_696 = arith.constant 3 : i32
      %get3A_697 = arith.index_cast %get3A_696 : i32 to index
      %get3A_698 = arith.index_cast %scan3A_599 : i32 to index
      %get3A_699 = arith.constant 112 : index
      %get3A_700 = tpu.vector_load %arg8[%get3A_697, %get3A_698, %get3A_699] {strides = array<i32>} : memref<6x64x128xf32, #tpu.memory_space<vmem>>, vector<16xf32>,
      %mul3A_701 = arith.mulf %get3A_695, %get3A_700 : vector<16xf32>
      %add3A_702 = arith.addf %scan3A_607, %mul3A_701 : vector<16xf32>
      scf.yield %add3A_618, %add3A_630, %add3A_642, %add3A_654, %add3A_666, %add3A_678, %add3A_690, %add3A_702 : vector<16xf32>, vector<16xf32>, vector<16xf32>, vector<16xf32>, vector<16xf32>, vector<16xf32>, vector<16xf32>, vector<16xf32>
    }
    %scan3A_438 = arith.constant 64 : i32
    %dma_wait3A_439 = arith.constant 4 : i32
    %dma_wait3A_440 = arith.constant 0 : i32
    %dma_wait3A_441 = arith.constant 0 : i32
    %dma_wait3A_442 = tpu.memref_slice %arg7[%dma_wait3A_439, %dma_wait3A_440, %dma_wait3A_441] : memref<6x64x128xf32, #tpu.memory_space<vmem>> -> memref<1x64x128xf32, #tpu.memory_space<vmem>>
    %dma_wait3A_443 = tpu.memref_squeeze %dma_wait3A_442 : memref<1x64x128xf32, #tpu.memory_space<vmem>> -> memref<64x128xf32, #tpu.memory_space<vmem>>
    %dma_wait3A_444 = arith.constant 0 : i32
    %dma_wait3A_445 = arith.constant 0 : i32
    %dma_wait3A_446 = tpu.memref_slice %dma_wait3A_443[%dma_wait3A_444, %dma_wait3A_445] : memref<64x128xf32, #tpu.memory_space<vmem>> -> memref<64x128xf32, #tpu.memory_space<vmem>>
    %dma_wait3A_447 = arith.constant 256 : i32
    %dma_wait3A_448 = tpu.memref_slice %arg6[%dma_wait3A_447] : memref<512xi32, #tpu.memory_space<vmem>> -> memref<64xi32, #tpu.memory_space<vmem>>
    %dma_wait3A_449 = arith.constant 0 : i32
    %dma_wait3A_450 = arith.constant 0 : i32
    %dma_wait3A_451 = tpu.memref_slice %arg4[%dma_wait3A_449, %dma_wait3A_450] : memref<1000000x128xf32, #tpu.memory_space<hbm>> -> memref<1000000x128xf32, #tpu.memory_space<hbm>>
    tpu.wait_indirect_dma semaphore(%arg14 : memref<!tpu.dma_semaphore, #tpu.memory_space<semaphore_mem>>) src(%dma_wait3A_451 : memref<1000000x128xf32, #tpu.memory_space<hbm>>) dst(%dma_wait3A_446 : memref<64x128xf32, #tpu.memory_space<vmem>>)
    %dma_wait3A_452 = arith.constant 4 : i32
    %dma_wait3A_453 = arith.constant 0 : i32
    %dma_wait3A_454 = arith.constant 0 : i32
    %dma_wait3A_455 = tpu.memref_slice %arg8[%dma_wait3A_452, %dma_wait3A_453, %dma_wait3A_454] : memref<6x64x128xf32, #tpu.memory_space<vmem>> -> memref<1x64x128xf32, #tpu.memory_space<vmem>>
    %dma_wait3A_456 = tpu.memref_squeeze %dma_wait3A_455 : memref<1x64x128xf32, #tpu.memory_space<vmem>> -> memref<64x128xf32, #tpu.memory_space<vmem>>
    %dma_wait3A_457 = arith.constant 0 : i32
    %dma_wait3A_458 = arith.constant 0 : i32
    %dma_wait3A_459 = tpu.memref_slice %dma_wait3A_456[%dma_wait3A_457, %dma_wait3A_458] : memref<64x128xf32, #tpu.memory_space<vmem>> -> memref<64x128xf32, #tpu.memory_space<vmem>>
    %dma_wait3A_460 = arith.constant 0 : i32
    %dma_wait3A_461 = tpu.memref_slice %arg2[%add3A_152, %dma_wait3A_460] : memref<16384x128xf32, #tpu.memory_space<hbm>> -> memref<64x128xf32, #tpu.memory_space<hbm>>
    %dma_wait3A_462 = arith.constant 0 : i32
    %dma_wait3A_463 = arith.constant 0 : i32
    %dma_wait3A_464 = tpu.memref_slice %arg8[%dma_wait3A_452, %dma_wait3A_462, %dma_wait3A_463] : memref<6x64x128xf32, #tpu.memory_space<vmem>> -> memref<1x64x128xf32, #tpu.memory_space<vmem>>
    %dma_wait3A_465 = tpu.memref_squeeze %dma_wait3A_464 : memref<1x64x128xf32, #tpu.memory_space<vmem>> -> memref<64x128xf32, #tpu.memory_space<vmem>>
    %dma_wait3A_466 = arith.constant 0 : i32
    %dma_wait3A_467 = arith.constant 0 : i32
    %dma_wait3A_468 = tpu.memref_slice %dma_wait3A_465[%dma_wait3A_466, %dma_wait3A_467] : memref<64x128xf32, #tpu.memory_space<vmem>> -> memref<64x128xf32, #tpu.memory_space<vmem>>
    %dma_wait3A_469 = arith.constant 0 : i32
    %dma_wait3A_470 = tpu.memref_slice %arg2[%add3A_152, %dma_wait3A_469] : memref<16384x128xf32, #tpu.memory_space<hbm>> -> memref<64x128xf32, #tpu.memory_space<hbm>>
    tpu.wait_dma2 semaphore(%arg20 : memref<!tpu.dma_semaphore, #tpu.memory_space<semaphore_mem>>) src(%dma_wait3A_470 : memref<64x128xf32, #tpu.memory_space<hbm>>) dst(%dma_wait3A_468 : memref<64x128xf32, #tpu.memory_space<vmem>>)
    %scan3A_471 = arith.constant 0 : i32
    %scan3A_472 = arith.constant 64 : i32
    %scan3A_473 = arith.addi %scan3A_471, %scan3A_472 : i32
    %scan3A_474 = arith.constant 1 : i32
    %scan3A_475:8 = scf.for %scan3A_599 = %scan3A_471 to %scan3A_473 step %scan3A_474 iter_args(%scan3A_600 = %scan3A_437#0, %scan3A_601 = %scan3A_437#1, %scan3A_602 = %scan3A_437#2, %scan3A_603 = %scan3A_437#3, %scan3A_604 = %scan3A_437#4, %scan3A_605 = %scan3A_437#5, %scan3A_606 = %scan3A_437#6, %scan3A_607 = %scan3A_437#7) -> (vector<16xf32>, vector<16xf32>, vector<16xf32>, vector<16xf32>, vector<16xf32>, vector<16xf32>, vector<16xf32>, vector<16xf32>)  : i32 {
      %get3A = arith.constant 4 : i32
      %get3A_608 = arith.index_cast %get3A : i32 to index
      %get3A_609 = arith.index_cast %scan3A_599 : i32 to index
      %get3A_610 = arith.constant 0 : index
      %get3A_611 = tpu.vector_load %arg7[%get3A_608, %get3A_609, %get3A_610] {strides = array<i32>} : memref<6x64x128xf32, #tpu.memory_space<vmem>>, vector<16xf32>,
      %get3A_612 = arith.constant 4 : i32
      %get3A_613 = arith.index_cast %get3A_612 : i32 to index
      %get3A_614 = arith.index_cast %scan3A_599 : i32 to index
      %get3A_615 = arith.constant 0 : index
      %get3A_616 = tpu.vector_load %arg8[%get3A_613, %get3A_614, %get3A_615] {strides = array<i32>} : memref<6x64x128xf32, #tpu.memory_space<vmem>>, vector<16xf32>,
      %mul3A_617 = arith.mulf %get3A_611, %get3A_616 : vector<16xf32>
      %add3A_618 = arith.addf %scan3A_600, %mul3A_617 : vector<16xf32>
      %get3A_619 = arith.constant 4 : i32
      %get3A_620 = arith.index_cast %get3A_619 : i32 to index
      %get3A_621 = arith.index_cast %scan3A_599 : i32 to index
      %get3A_622 = arith.constant 16 : index
      %get3A_623 = tpu.vector_load %arg7[%get3A_620, %get3A_621, %get3A_622] {strides = array<i32>} : memref<6x64x128xf32, #tpu.memory_space<vmem>>, vector<16xf32>,
      %get3A_624 = arith.constant 4 : i32
      %get3A_625 = arith.index_cast %get3A_624 : i32 to index
      %get3A_626 = arith.index_cast %scan3A_599 : i32 to index
      %get3A_627 = arith.constant 16 : index
      %get3A_628 = tpu.vector_load %arg8[%get3A_625, %get3A_626, %get3A_627] {strides = array<i32>} : memref<6x64x128xf32, #tpu.memory_space<vmem>>, vector<16xf32>,
      %mul3A_629 = arith.mulf %get3A_623, %get3A_628 : vector<16xf32>
      %add3A_630 = arith.addf %scan3A_601, %mul3A_629 : vector<16xf32>
      %get3A_631 = arith.constant 4 : i32
      %get3A_632 = arith.index_cast %get3A_631 : i32 to index
      %get3A_633 = arith.index_cast %scan3A_599 : i32 to index
      %get3A_634 = arith.constant 32 : index
      %get3A_635 = tpu.vector_load %arg7[%get3A_632, %get3A_633, %get3A_634] {strides = array<i32>} : memref<6x64x128xf32, #tpu.memory_space<vmem>>, vector<16xf32>,
      %get3A_636 = arith.constant 4 : i32
      %get3A_637 = arith.index_cast %get3A_636 : i32 to index
      %get3A_638 = arith.index_cast %scan3A_599 : i32 to index
      %get3A_639 = arith.constant 32 : index
      %get3A_640 = tpu.vector_load %arg8[%get3A_637, %get3A_638, %get3A_639] {strides = array<i32>} : memref<6x64x128xf32, #tpu.memory_space<vmem>>, vector<16xf32>,
      %mul3A_641 = arith.mulf %get3A_635, %get3A_640 : vector<16xf32>
      %add3A_642 = arith.addf %scan3A_602, %mul3A_641 : vector<16xf32>
      %get3A_643 = arith.constant 4 : i32
      %get3A_644 = arith.index_cast %get3A_643 : i32 to index
      %get3A_645 = arith.index_cast %scan3A_599 : i32 to index
      %get3A_646 = arith.constant 48 : index
      %get3A_647 = tpu.vector_load %arg7[%get3A_644, %get3A_645, %get3A_646] {strides = array<i32>} : memref<6x64x128xf32, #tpu.memory_space<vmem>>, vector<16xf32>,
      %get3A_648 = arith.constant 4 : i32
      %get3A_649 = arith.index_cast %get3A_648 : i32 to index
      %get3A_650 = arith.index_cast %scan3A_599 : i32 to index
      %get3A_651 = arith.constant 48 : index
      %get3A_652 = tpu.vector_load %arg8[%get3A_649, %get3A_650, %get3A_651] {strides = array<i32>} : memref<6x64x128xf32, #tpu.memory_space<vmem>>, vector<16xf32>,
      %mul3A_653 = arith.mulf %get3A_647, %get3A_652 : vector<16xf32>
      %add3A_654 = arith.addf %scan3A_603, %mul3A_653 : vector<16xf32>
      %get3A_655 = arith.constant 4 : i32
      %get3A_656 = arith.index_cast %get3A_655 : i32 to index
      %get3A_657 = arith.index_cast %scan3A_599 : i32 to index
      %get3A_658 = arith.constant 64 : index
      %get3A_659 = tpu.vector_load %arg7[%get3A_656, %get3A_657, %get3A_658] {strides = array<i32>} : memref<6x64x128xf32, #tpu.memory_space<vmem>>, vector<16xf32>,
      %get3A_660 = arith.constant 4 : i32
      %get3A_661 = arith.index_cast %get3A_660 : i32 to index
      %get3A_662 = arith.index_cast %scan3A_599 : i32 to index
      %get3A_663 = arith.constant 64 : index
      %get3A_664 = tpu.vector_load %arg8[%get3A_661, %get3A_662, %get3A_663] {strides = array<i32>} : memref<6x64x128xf32, #tpu.memory_space<vmem>>, vector<16xf32>,
      %mul3A_665 = arith.mulf %get3A_659, %get3A_664 : vector<16xf32>
      %add3A_666 = arith.addf %scan3A_604, %mul3A_665 : vector<16xf32>
      %get3A_667 = arith.constant 4 : i32
      %get3A_668 = arith.index_cast %get3A_667 : i32 to index
      %get3A_669 = arith.index_cast %scan3A_599 : i32 to index
      %get3A_670 = arith.constant 80 : index
      %get3A_671 = tpu.vector_load %arg7[%get3A_668, %get3A_669, %get3A_670] {strides = array<i32>} : memref<6x64x128xf32, #tpu.memory_space<vmem>>, vector<16xf32>,
      %get3A_672 = arith.constant 4 : i32
      %get3A_673 = arith.index_cast %get3A_672 : i32 to index
      %get3A_674 = arith.index_cast %scan3A_599 : i32 to index
      %get3A_675 = arith.constant 80 : index
      %get3A_676 = tpu.vector_load %arg8[%get3A_673, %get3A_674, %get3A_675] {strides = array<i32>} : memref<6x64x128xf32, #tpu.memory_space<vmem>>, vector<16xf32>,
      %mul3A_677 = arith.mulf %get3A_671, %get3A_676 : vector<16xf32>
      %add3A_678 = arith.addf %scan3A_605, %mul3A_677 : vector<16xf32>
      %get3A_679 = arith.constant 4 : i32
      %get3A_680 = arith.index_cast %get3A_679 : i32 to index
      %get3A_681 = arith.index_cast %scan3A_599 : i32 to index
      %get3A_682 = arith.constant 96 : index
      %get3A_683 = tpu.vector_load %arg7[%get3A_680, %get3A_681, %get3A_682] {strides = array<i32>} : memref<6x64x128xf32, #tpu.memory_space<vmem>>, vector<16xf32>,
      %get3A_684 = arith.constant 4 : i32
      %get3A_685 = arith.index_cast %get3A_684 : i32 to index
      %get3A_686 = arith.index_cast %scan3A_599 : i32 to index
      %get3A_687 = arith.constant 96 : index
      %get3A_688 = tpu.vector_load %arg8[%get3A_685, %get3A_686, %get3A_687] {strides = array<i32>} : memref<6x64x128xf32, #tpu.memory_space<vmem>>, vector<16xf32>,
      %mul3A_689 = arith.mulf %get3A_683, %get3A_688 : vector<16xf32>
      %add3A_690 = arith.addf %scan3A_606, %mul3A_689 : vector<16xf32>
      %get3A_691 = arith.constant 4 : i32
      %get3A_692 = arith.index_cast %get3A_691 : i32 to index
      %get3A_693 = arith.index_cast %scan3A_599 : i32 to index
      %get3A_694 = arith.constant 112 : index
      %get3A_695 = tpu.vector_load %arg7[%get3A_692, %get3A_693, %get3A_694] {strides = array<i32>} : memref<6x64x128xf32, #tpu.memory_space<vmem>>, vector<16xf32>,
      %get3A_696 = arith.constant 4 : i32
      %get3A_697 = arith.index_cast %get3A_696 : i32 to index
      %get3A_698 = arith.index_cast %scan3A_599 : i32 to index
      %get3A_699 = arith.constant 112 : index
      %get3A_700 = tpu.vector_load %arg8[%get3A_697, %get3A_698, %get3A_699] {strides = array<i32>} : memref<6x64x128xf32, #tpu.memory_space<vmem>>, vector<16xf32>,
      %mul3A_701 = arith.mulf %get3A_695, %get3A_700 : vector<16xf32>
      %add3A_702 = arith.addf %scan3A_607, %mul3A_701 : vector<16xf32>
      scf.yield %add3A_618, %add3A_630, %add3A_642, %add3A_654, %add3A_666, %add3A_678, %add3A_690, %add3A_702 : vector<16xf32>, vector<16xf32>, vector<16xf32>, vector<16xf32>, vector<16xf32>, vector<16xf32>, vector<16xf32>, vector<16xf32>
    }
    %scan3A_476 = arith.constant 64 : i32
    %dma_wait3A_477 = arith.constant 5 : i32
    %dma_wait3A_478 = arith.constant 0 : i32
    %dma_wait3A_479 = arith.constant 0 : i32
    %dma_wait3A_480 = tpu.memref_slice %arg7[%dma_wait3A_477, %dma_wait3A_478, %dma_wait3A_479] : memref<6x64x128xf32, #tpu.memory_space<vmem>> -> memref<1x64x128xf32, #tpu.memory_space<vmem>>
    %dma_wait3A_481 = tpu.memref_squeeze %dma_wait3A_480 : memref<1x64x128xf32, #tpu.memory_space<vmem>> -> memref<64x128xf32, #tpu.memory_space<vmem>>
    %dma_wait3A_482 = arith.constant 0 : i32
    %dma_wait3A_483 = arith.constant 0 : i32
    %dma_wait3A_484 = tpu.memref_slice %dma_wait3A_481[%dma_wait3A_482, %dma_wait3A_483] : memref<64x128xf32, #tpu.memory_space<vmem>> -> memref<64x128xf32, #tpu.memory_space<vmem>>
    %dma_wait3A_485 = arith.constant 320 : i32
    %dma_wait3A_486 = tpu.memref_slice %arg6[%dma_wait3A_485] : memref<512xi32, #tpu.memory_space<vmem>> -> memref<64xi32, #tpu.memory_space<vmem>>
    %dma_wait3A_487 = arith.constant 0 : i32
    %dma_wait3A_488 = arith.constant 0 : i32
    %dma_wait3A_489 = tpu.memref_slice %arg4[%dma_wait3A_487, %dma_wait3A_488] : memref<1000000x128xf32, #tpu.memory_space<hbm>> -> memref<1000000x128xf32, #tpu.memory_space<hbm>>
    tpu.wait_indirect_dma semaphore(%arg15 : memref<!tpu.dma_semaphore, #tpu.memory_space<semaphore_mem>>) src(%dma_wait3A_489 : memref<1000000x128xf32, #tpu.memory_space<hbm>>) dst(%dma_wait3A_484 : memref<64x128xf32, #tpu.memory_space<vmem>>)
    %dma_wait3A_490 = arith.constant 5 : i32
    %dma_wait3A_491 = arith.constant 0 : i32
    %dma_wait3A_492 = arith.constant 0 : i32
    %dma_wait3A_493 = tpu.memref_slice %arg8[%dma_wait3A_490, %dma_wait3A_491, %dma_wait3A_492] : memref<6x64x128xf32, #tpu.memory_space<vmem>> -> memref<1x64x128xf32, #tpu.memory_space<vmem>>
    %dma_wait3A_494 = tpu.memref_squeeze %dma_wait3A_493 : memref<1x64x128xf32, #tpu.memory_space<vmem>> -> memref<64x128xf32, #tpu.memory_space<vmem>>
    %dma_wait3A_495 = arith.constant 0 : i32
    %dma_wait3A_496 = arith.constant 0 : i32
    %dma_wait3A_497 = tpu.memref_slice %dma_wait3A_494[%dma_wait3A_495, %dma_wait3A_496] : memref<64x128xf32, #tpu.memory_space<vmem>> -> memref<64x128xf32, #tpu.memory_space<vmem>>
    %dma_wait3A_498 = arith.constant 0 : i32
    %dma_wait3A_499 = tpu.memref_slice %arg2[%add3A_186, %dma_wait3A_498] : memref<16384x128xf32, #tpu.memory_space<hbm>> -> memref<64x128xf32, #tpu.memory_space<hbm>>
    %dma_wait3A_500 = arith.constant 0 : i32
    %dma_wait3A_501 = arith.constant 0 : i32
    %dma_wait3A_502 = tpu.memref_slice %arg8[%dma_wait3A_490, %dma_wait3A_500, %dma_wait3A_501] : memref<6x64x128xf32, #tpu.memory_space<vmem>> -> memref<1x64x128xf32, #tpu.memory_space<vmem>>
    %dma_wait3A_503 = tpu.memref_squeeze %dma_wait3A_502 : memref<1x64x128xf32, #tpu.memory_space<vmem>> -> memref<64x128xf32, #tpu.memory_space<vmem>>
    %dma_wait3A_504 = arith.constant 0 : i32
    %dma_wait3A_505 = arith.constant 0 : i32
    %dma_wait3A_506 = tpu.memref_slice %dma_wait3A_503[%dma_wait3A_504, %dma_wait3A_505] : memref<64x128xf32, #tpu.memory_space<vmem>> -> memref<64x128xf32, #tpu.memory_space<vmem>>
    %dma_wait3A_507 = arith.constant 0 : i32
    %dma_wait3A_508 = tpu.memref_slice %arg2[%add3A_186, %dma_wait3A_507] : memref<16384x128xf32, #tpu.memory_space<hbm>> -> memref<64x128xf32, #tpu.memory_space<hbm>>
    tpu.wait_dma2 semaphore(%arg21 : memref<!tpu.dma_semaphore, #tpu.memory_space<semaphore_mem>>) src(%dma_wait3A_508 : memref<64x128xf32, #tpu.memory_space<hbm>>) dst(%dma_wait3A_506 : memref<64x128xf32, #tpu.memory_space<vmem>>)
    %scan3A_509 = arith.constant 0 : i32
    %scan3A_510 = arith.constant 64 : i32
    %scan3A_511 = arith.addi %scan3A_509, %scan3A_510 : i32
    %scan3A_512 = arith.constant 1 : i32
    %scan3A_513:8 = scf.for %scan3A_599 = %scan3A_509 to %scan3A_511 step %scan3A_512 iter_args(%scan3A_600 = %scan3A_475#0, %scan3A_601 = %scan3A_475#1, %scan3A_602 = %scan3A_475#2, %scan3A_603 = %scan3A_475#3, %scan3A_604 = %scan3A_475#4, %scan3A_605 = %scan3A_475#5, %scan3A_606 = %scan3A_475#6, %scan3A_607 = %scan3A_475#7) -> (vector<16xf32>, vector<16xf32>, vector<16xf32>, vector<16xf32>, vector<16xf32>, vector<16xf32>, vector<16xf32>, vector<16xf32>)  : i32 {
      %get3A = arith.constant 5 : i32
      %get3A_608 = arith.index_cast %get3A : i32 to index
      %get3A_609 = arith.index_cast %scan3A_599 : i32 to index
      %get3A_610 = arith.constant 0 : index
      %get3A_611 = tpu.vector_load %arg7[%get3A_608, %get3A_609, %get3A_610] {strides = array<i32>} : memref<6x64x128xf32, #tpu.memory_space<vmem>>, vector<16xf32>,
      %get3A_612 = arith.constant 5 : i32
      %get3A_613 = arith.index_cast %get3A_612 : i32 to index
      %get3A_614 = arith.index_cast %scan3A_599 : i32 to index
      %get3A_615 = arith.constant 0 : index
      %get3A_616 = tpu.vector_load %arg8[%get3A_613, %get3A_614, %get3A_615] {strides = array<i32>} : memref<6x64x128xf32, #tpu.memory_space<vmem>>, vector<16xf32>,
      %mul3A_617 = arith.mulf %get3A_611, %get3A_616 : vector<16xf32>
      %add3A_618 = arith.addf %scan3A_600, %mul3A_617 : vector<16xf32>
      %get3A_619 = arith.constant 5 : i32
      %get3A_620 = arith.index_cast %get3A_619 : i32 to index
      %get3A_621 = arith.index_cast %scan3A_599 : i32 to index
      %get3A_622 = arith.constant 16 : index
      %get3A_623 = tpu.vector_load %arg7[%get3A_620, %get3A_621, %get3A_622] {strides = array<i32>} : memref<6x64x128xf32, #tpu.memory_space<vmem>>, vector<16xf32>,
      %get3A_624 = arith.constant 5 : i32
      %get3A_625 = arith.index_cast %get3A_624 : i32 to index
      %get3A_626 = arith.index_cast %scan3A_599 : i32 to index
      %get3A_627 = arith.constant 16 : index
      %get3A_628 = tpu.vector_load %arg8[%get3A_625, %get3A_626, %get3A_627] {strides = array<i32>} : memref<6x64x128xf32, #tpu.memory_space<vmem>>, vector<16xf32>,
      %mul3A_629 = arith.mulf %get3A_623, %get3A_628 : vector<16xf32>
      %add3A_630 = arith.addf %scan3A_601, %mul3A_629 : vector<16xf32>
      %get3A_631 = arith.constant 5 : i32
      %get3A_632 = arith.index_cast %get3A_631 : i32 to index
      %get3A_633 = arith.index_cast %scan3A_599 : i32 to index
      %get3A_634 = arith.constant 32 : index
      %get3A_635 = tpu.vector_load %arg7[%get3A_632, %get3A_633, %get3A_634] {strides = array<i32>} : memref<6x64x128xf32, #tpu.memory_space<vmem>>, vector<16xf32>,
      %get3A_636 = arith.constant 5 : i32
      %get3A_637 = arith.index_cast %get3A_636 : i32 to index
      %get3A_638 = arith.index_cast %scan3A_599 : i32 to index
      %get3A_639 = arith.constant 32 : index
      %get3A_640 = tpu.vector_load %arg8[%get3A_637, %get3A_638, %get3A_639] {strides = array<i32>} : memref<6x64x128xf32, #tpu.memory_space<vmem>>, vector<16xf32>,
      %mul3A_641 = arith.mulf %get3A_635, %get3A_640 : vector<16xf32>
      %add3A_642 = arith.addf %scan3A_602, %mul3A_641 : vector<16xf32>
      %get3A_643 = arith.constant 5 : i32
      %get3A_644 = arith.index_cast %get3A_643 : i32 to index
      %get3A_645 = arith.index_cast %scan3A_599 : i32 to index
      %get3A_646 = arith.constant 48 : index
      %get3A_647 = tpu.vector_load %arg7[%get3A_644, %get3A_645, %get3A_646] {strides = array<i32>} : memref<6x64x128xf32, #tpu.memory_space<vmem>>, vector<16xf32>,
      %get3A_648 = arith.constant 5 : i32
      %get3A_649 = arith.index_cast %get3A_648 : i32 to index
      %get3A_650 = arith.index_cast %scan3A_599 : i32 to index
      %get3A_651 = arith.constant 48 : index
      %get3A_652 = tpu.vector_load %arg8[%get3A_649, %get3A_650, %get3A_651] {strides = array<i32>} : memref<6x64x128xf32, #tpu.memory_space<vmem>>, vector<16xf32>,
      %mul3A_653 = arith.mulf %get3A_647, %get3A_652 : vector<16xf32>
      %add3A_654 = arith.addf %scan3A_603, %mul3A_653 : vector<16xf32>
      %get3A_655 = arith.constant 5 : i32
      %get3A_656 = arith.index_cast %get3A_655 : i32 to index
      %get3A_657 = arith.index_cast %scan3A_599 : i32 to index
      %get3A_658 = arith.constant 64 : index
      %get3A_659 = tpu.vector_load %arg7[%get3A_656, %get3A_657, %get3A_658] {strides = array<i32>} : memref<6x64x128xf32, #tpu.memory_space<vmem>>, vector<16xf32>,
      %get3A_660 = arith.constant 5 : i32
      %get3A_661 = arith.index_cast %get3A_660 : i32 to index
      %get3A_662 = arith.index_cast %scan3A_599 : i32 to index
      %get3A_663 = arith.constant 64 : index
      %get3A_664 = tpu.vector_load %arg8[%get3A_661, %get3A_662, %get3A_663] {strides = array<i32>} : memref<6x64x128xf32, #tpu.memory_space<vmem>>, vector<16xf32>,
      %mul3A_665 = arith.mulf %get3A_659, %get3A_664 : vector<16xf32>
      %add3A_666 = arith.addf %scan3A_604, %mul3A_665 : vector<16xf32>
      %get3A_667 = arith.constant 5 : i32
      %get3A_668 = arith.index_cast %get3A_667 : i32 to index
      %get3A_669 = arith.index_cast %scan3A_599 : i32 to index
      %get3A_670 = arith.constant 80 : index
      %get3A_671 = tpu.vector_load %arg7[%get3A_668, %get3A_669, %get3A_670] {strides = array<i32>} : memref<6x64x128xf32, #tpu.memory_space<vmem>>, vector<16xf32>,
      %get3A_672 = arith.constant 5 : i32
      %get3A_673 = arith.index_cast %get3A_672 : i32 to index
      %get3A_674 = arith.index_cast %scan3A_599 : i32 to index
      %get3A_675 = arith.constant 80 : index
      %get3A_676 = tpu.vector_load %arg8[%get3A_673, %get3A_674, %get3A_675] {strides = array<i32>} : memref<6x64x128xf32, #tpu.memory_space<vmem>>, vector<16xf32>,
      %mul3A_677 = arith.mulf %get3A_671, %get3A_676 : vector<16xf32>
      %add3A_678 = arith.addf %scan3A_605, %mul3A_677 : vector<16xf32>
      %get3A_679 = arith.constant 5 : i32
      %get3A_680 = arith.index_cast %get3A_679 : i32 to index
      %get3A_681 = arith.index_cast %scan3A_599 : i32 to index
      %get3A_682 = arith.constant 96 : index
      %get3A_683 = tpu.vector_load %arg7[%get3A_680, %get3A_681, %get3A_682] {strides = array<i32>} : memref<6x64x128xf32, #tpu.memory_space<vmem>>, vector<16xf32>,
      %get3A_684 = arith.constant 5 : i32
      %get3A_685 = arith.index_cast %get3A_684 : i32 to index
      %get3A_686 = arith.index_cast %scan3A_599 : i32 to index
      %get3A_687 = arith.constant 96 : index
      %get3A_688 = tpu.vector_load %arg8[%get3A_685, %get3A_686, %get3A_687] {strides = array<i32>} : memref<6x64x128xf32, #tpu.memory_space<vmem>>, vector<16xf32>,
      %mul3A_689 = arith.mulf %get3A_683, %get3A_688 : vector<16xf32>
      %add3A_690 = arith.addf %scan3A_606, %mul3A_689 : vector<16xf32>
      %get3A_691 = arith.constant 5 : i32
      %get3A_692 = arith.index_cast %get3A_691 : i32 to index
      %get3A_693 = arith.index_cast %scan3A_599 : i32 to index
      %get3A_694 = arith.constant 112 : index
      %get3A_695 = tpu.vector_load %arg7[%get3A_692, %get3A_693, %get3A_694] {strides = array<i32>} : memref<6x64x128xf32, #tpu.memory_space<vmem>>, vector<16xf32>,
      %get3A_696 = arith.constant 5 : i32
      %get3A_697 = arith.index_cast %get3A_696 : i32 to index
      %get3A_698 = arith.index_cast %scan3A_599 : i32 to index
      %get3A_699 = arith.constant 112 : index
      %get3A_700 = tpu.vector_load %arg8[%get3A_697, %get3A_698, %get3A_699] {strides = array<i32>} : memref<6x64x128xf32, #tpu.memory_space<vmem>>, vector<16xf32>,
      %mul3A_701 = arith.mulf %get3A_695, %get3A_700 : vector<16xf32>
      %add3A_702 = arith.addf %scan3A_607, %mul3A_701 : vector<16xf32>
      scf.yield %add3A_618, %add3A_630, %add3A_642, %add3A_654, %add3A_666, %add3A_678, %add3A_690, %add3A_702 : vector<16xf32>, vector<16xf32>, vector<16xf32>, vector<16xf32>, vector<16xf32>, vector<16xf32>, vector<16xf32>, vector<16xf32>
    }
    %scan3A_514 = arith.constant 64 : i32
    %dma_wait3A_515 = arith.constant 0 : i32
    %dma_wait3A_516 = arith.constant 0 : i32
    %dma_wait3A_517 = arith.constant 0 : i32
    %dma_wait3A_518 = tpu.memref_slice %arg7[%dma_wait3A_515, %dma_wait3A_516, %dma_wait3A_517] : memref<6x64x128xf32, #tpu.memory_space<vmem>> -> memref<1x64x128xf32, #tpu.memory_space<vmem>>
    %dma_wait3A_519 = tpu.memref_squeeze %dma_wait3A_518 : memref<1x64x128xf32, #tpu.memory_space<vmem>> -> memref<64x128xf32, #tpu.memory_space<vmem>>
    %dma_wait3A_520 = arith.constant 0 : i32
    %dma_wait3A_521 = arith.constant 0 : i32
    %dma_wait3A_522 = tpu.memref_slice %dma_wait3A_519[%dma_wait3A_520, %dma_wait3A_521] : memref<64x128xf32, #tpu.memory_space<vmem>> -> memref<64x128xf32, #tpu.memory_space<vmem>>
    %dma_wait3A_523 = arith.constant 384 : i32
    %dma_wait3A_524 = tpu.memref_slice %arg6[%dma_wait3A_523] : memref<512xi32, #tpu.memory_space<vmem>> -> memref<64xi32, #tpu.memory_space<vmem>>
    %dma_wait3A_525 = arith.constant 0 : i32
    %dma_wait3A_526 = arith.constant 0 : i32
    %dma_wait3A_527 = tpu.memref_slice %arg4[%dma_wait3A_525, %dma_wait3A_526] : memref<1000000x128xf32, #tpu.memory_space<hbm>> -> memref<1000000x128xf32, #tpu.memory_space<hbm>>
    tpu.wait_indirect_dma semaphore(%arg10 : memref<!tpu.dma_semaphore, #tpu.memory_space<semaphore_mem>>) src(%dma_wait3A_527 : memref<1000000x128xf32, #tpu.memory_space<hbm>>) dst(%dma_wait3A_522 : memref<64x128xf32, #tpu.memory_space<vmem>>)
    %dma_wait3A_528 = arith.constant 0 : i32
    %dma_wait3A_529 = arith.constant 0 : i32
    %dma_wait3A_530 = arith.constant 0 : i32
    %dma_wait3A_531 = tpu.memref_slice %arg8[%dma_wait3A_528, %dma_wait3A_529, %dma_wait3A_530] : memref<6x64x128xf32, #tpu.memory_space<vmem>> -> memref<1x64x128xf32, #tpu.memory_space<vmem>>
    %dma_wait3A_532 = tpu.memref_squeeze %dma_wait3A_531 : memref<1x64x128xf32, #tpu.memory_space<vmem>> -> memref<64x128xf32, #tpu.memory_space<vmem>>
    %dma_wait3A_533 = arith.constant 0 : i32
    %dma_wait3A_534 = arith.constant 0 : i32
    %dma_wait3A_535 = tpu.memref_slice %dma_wait3A_532[%dma_wait3A_533, %dma_wait3A_534] : memref<64x128xf32, #tpu.memory_space<vmem>> -> memref<64x128xf32, #tpu.memory_space<vmem>>
    %dma_wait3A_536 = arith.constant 0 : i32
    %dma_wait3A_537 = tpu.memref_slice %arg2[%add3A_271, %dma_wait3A_536] : memref<16384x128xf32, #tpu.memory_space<hbm>> -> memref<64x128xf32, #tpu.memory_space<hbm>>
    %dma_wait3A_538 = arith.constant 0 : i32
    %dma_wait3A_539 = arith.constant 0 : i32
    %dma_wait3A_540 = tpu.memref_slice %arg8[%dma_wait3A_528, %dma_wait3A_538, %dma_wait3A_539] : memref<6x64x128xf32, #tpu.memory_space<vmem>> -> memref<1x64x128xf32, #tpu.memory_space<vmem>>
    %dma_wait3A_541 = tpu.memref_squeeze %dma_wait3A_540 : memref<1x64x128xf32, #tpu.memory_space<vmem>> -> memref<64x128xf32, #tpu.memory_space<vmem>>
    %dma_wait3A_542 = arith.constant 0 : i32
    %dma_wait3A_543 = arith.constant 0 : i32
    %dma_wait3A_544 = tpu.memref_slice %dma_wait3A_541[%dma_wait3A_542, %dma_wait3A_543] : memref<64x128xf32, #tpu.memory_space<vmem>> -> memref<64x128xf32, #tpu.memory_space<vmem>>
    %dma_wait3A_545 = arith.constant 0 : i32
    %dma_wait3A_546 = tpu.memref_slice %arg2[%add3A_271, %dma_wait3A_545] : memref<16384x128xf32, #tpu.memory_space<hbm>> -> memref<64x128xf32, #tpu.memory_space<hbm>>
    tpu.wait_dma2 semaphore(%arg16 : memref<!tpu.dma_semaphore, #tpu.memory_space<semaphore_mem>>) src(%dma_wait3A_546 : memref<64x128xf32, #tpu.memory_space<hbm>>) dst(%dma_wait3A_544 : memref<64x128xf32, #tpu.memory_space<vmem>>)
    %scan3A_547 = arith.constant 0 : i32
    %scan3A_548 = arith.constant 64 : i32
    %scan3A_549 = arith.addi %scan3A_547, %scan3A_548 : i32
    %scan3A_550 = arith.constant 1 : i32
    %scan3A_551:8 = scf.for %scan3A_599 = %scan3A_547 to %scan3A_549 step %scan3A_550 iter_args(%scan3A_600 = %scan3A_513#0, %scan3A_601 = %scan3A_513#1, %scan3A_602 = %scan3A_513#2, %scan3A_603 = %scan3A_513#3, %scan3A_604 = %scan3A_513#4, %scan3A_605 = %scan3A_513#5, %scan3A_606 = %scan3A_513#6, %scan3A_607 = %scan3A_513#7) -> (vector<16xf32>, vector<16xf32>, vector<16xf32>, vector<16xf32>, vector<16xf32>, vector<16xf32>, vector<16xf32>, vector<16xf32>)  : i32 {
      %get3A = arith.constant 0 : i32
      %get3A_608 = arith.index_cast %get3A : i32 to index
      %get3A_609 = arith.index_cast %scan3A_599 : i32 to index
      %get3A_610 = arith.constant 0 : index
      %get3A_611 = tpu.vector_load %arg7[%get3A_608, %get3A_609, %get3A_610] {strides = array<i32>} : memref<6x64x128xf32, #tpu.memory_space<vmem>>, vector<16xf32>,
      %get3A_612 = arith.constant 0 : i32
      %get3A_613 = arith.index_cast %get3A_612 : i32 to index
      %get3A_614 = arith.index_cast %scan3A_599 : i32 to index
      %get3A_615 = arith.constant 0 : index
      %get3A_616 = tpu.vector_load %arg8[%get3A_613, %get3A_614, %get3A_615] {strides = array<i32>} : memref<6x64x128xf32, #tpu.memory_space<vmem>>, vector<16xf32>,
      %mul3A_617 = arith.mulf %get3A_611, %get3A_616 : vector<16xf32>
      %add3A_618 = arith.addf %scan3A_600, %mul3A_617 : vector<16xf32>
      %get3A_619 = arith.constant 0 : i32
      %get3A_620 = arith.index_cast %get3A_619 : i32 to index
      %get3A_621 = arith.index_cast %scan3A_599 : i32 to index
      %get3A_622 = arith.constant 16 : index
      %get3A_623 = tpu.vector_load %arg7[%get3A_620, %get3A_621, %get3A_622] {strides = array<i32>} : memref<6x64x128xf32, #tpu.memory_space<vmem>>, vector<16xf32>,
      %get3A_624 = arith.constant 0 : i32
      %get3A_625 = arith.index_cast %get3A_624 : i32 to index
      %get3A_626 = arith.index_cast %scan3A_599 : i32 to index
      %get3A_627 = arith.constant 16 : index
      %get3A_628 = tpu.vector_load %arg8[%get3A_625, %get3A_626, %get3A_627] {strides = array<i32>} : memref<6x64x128xf32, #tpu.memory_space<vmem>>, vector<16xf32>,
      %mul3A_629 = arith.mulf %get3A_623, %get3A_628 : vector<16xf32>
      %add3A_630 = arith.addf %scan3A_601, %mul3A_629 : vector<16xf32>
      %get3A_631 = arith.constant 0 : i32
      %get3A_632 = arith.index_cast %get3A_631 : i32 to index
      %get3A_633 = arith.index_cast %scan3A_599 : i32 to index
      %get3A_634 = arith.constant 32 : index
      %get3A_635 = tpu.vector_load %arg7[%get3A_632, %get3A_633, %get3A_634] {strides = array<i32>} : memref<6x64x128xf32, #tpu.memory_space<vmem>>, vector<16xf32>,
      %get3A_636 = arith.constant 0 : i32
      %get3A_637 = arith.index_cast %get3A_636 : i32 to index
      %get3A_638 = arith.index_cast %scan3A_599 : i32 to index
      %get3A_639 = arith.constant 32 : index
      %get3A_640 = tpu.vector_load %arg8[%get3A_637, %get3A_638, %get3A_639] {strides = array<i32>} : memref<6x64x128xf32, #tpu.memory_space<vmem>>, vector<16xf32>,
      %mul3A_641 = arith.mulf %get3A_635, %get3A_640 : vector<16xf32>
      %add3A_642 = arith.addf %scan3A_602, %mul3A_641 : vector<16xf32>
      %get3A_643 = arith.constant 0 : i32
      %get3A_644 = arith.index_cast %get3A_643 : i32 to index
      %get3A_645 = arith.index_cast %scan3A_599 : i32 to index
      %get3A_646 = arith.constant 48 : index
      %get3A_647 = tpu.vector_load %arg7[%get3A_644, %get3A_645, %get3A_646] {strides = array<i32>} : memref<6x64x128xf32, #tpu.memory_space<vmem>>, vector<16xf32>,
      %get3A_648 = arith.constant 0 : i32
      %get3A_649 = arith.index_cast %get3A_648 : i32 to index
      %get3A_650 = arith.index_cast %scan3A_599 : i32 to index
      %get3A_651 = arith.constant 48 : index
      %get3A_652 = tpu.vector_load %arg8[%get3A_649, %get3A_650, %get3A_651] {strides = array<i32>} : memref<6x64x128xf32, #tpu.memory_space<vmem>>, vector<16xf32>,
      %mul3A_653 = arith.mulf %get3A_647, %get3A_652 : vector<16xf32>
      %add3A_654 = arith.addf %scan3A_603, %mul3A_653 : vector<16xf32>
      %get3A_655 = arith.constant 0 : i32
      %get3A_656 = arith.index_cast %get3A_655 : i32 to index
      %get3A_657 = arith.index_cast %scan3A_599 : i32 to index
      %get3A_658 = arith.constant 64 : index
      %get3A_659 = tpu.vector_load %arg7[%get3A_656, %get3A_657, %get3A_658] {strides = array<i32>} : memref<6x64x128xf32, #tpu.memory_space<vmem>>, vector<16xf32>,
      %get3A_660 = arith.constant 0 : i32
      %get3A_661 = arith.index_cast %get3A_660 : i32 to index
      %get3A_662 = arith.index_cast %scan3A_599 : i32 to index
      %get3A_663 = arith.constant 64 : index
      %get3A_664 = tpu.vector_load %arg8[%get3A_661, %get3A_662, %get3A_663] {strides = array<i32>} : memref<6x64x128xf32, #tpu.memory_space<vmem>>, vector<16xf32>,
      %mul3A_665 = arith.mulf %get3A_659, %get3A_664 : vector<16xf32>
      %add3A_666 = arith.addf %scan3A_604, %mul3A_665 : vector<16xf32>
      %get3A_667 = arith.constant 0 : i32
      %get3A_668 = arith.index_cast %get3A_667 : i32 to index
      %get3A_669 = arith.index_cast %scan3A_599 : i32 to index
      %get3A_670 = arith.constant 80 : index
      %get3A_671 = tpu.vector_load %arg7[%get3A_668, %get3A_669, %get3A_670] {strides = array<i32>} : memref<6x64x128xf32, #tpu.memory_space<vmem>>, vector<16xf32>,
      %get3A_672 = arith.constant 0 : i32
      %get3A_673 = arith.index_cast %get3A_672 : i32 to index
      %get3A_674 = arith.index_cast %scan3A_599 : i32 to index
      %get3A_675 = arith.constant 80 : index
      %get3A_676 = tpu.vector_load %arg8[%get3A_673, %get3A_674, %get3A_675] {strides = array<i32>} : memref<6x64x128xf32, #tpu.memory_space<vmem>>, vector<16xf32>,
      %mul3A_677 = arith.mulf %get3A_671, %get3A_676 : vector<16xf32>
      %add3A_678 = arith.addf %scan3A_605, %mul3A_677 : vector<16xf32>
      %get3A_679 = arith.constant 0 : i32
      %get3A_680 = arith.index_cast %get3A_679 : i32 to index
      %get3A_681 = arith.index_cast %scan3A_599 : i32 to index
      %get3A_682 = arith.constant 96 : index
      %get3A_683 = tpu.vector_load %arg7[%get3A_680, %get3A_681, %get3A_682] {strides = array<i32>} : memref<6x64x128xf32, #tpu.memory_space<vmem>>, vector<16xf32>,
      %get3A_684 = arith.constant 0 : i32
      %get3A_685 = arith.index_cast %get3A_684 : i32 to index
      %get3A_686 = arith.index_cast %scan3A_599 : i32 to index
      %get3A_687 = arith.constant 96 : index
      %get3A_688 = tpu.vector_load %arg8[%get3A_685, %get3A_686, %get3A_687] {strides = array<i32>} : memref<6x64x128xf32, #tpu.memory_space<vmem>>, vector<16xf32>,
      %mul3A_689 = arith.mulf %get3A_683, %get3A_688 : vector<16xf32>
      %add3A_690 = arith.addf %scan3A_606, %mul3A_689 : vector<16xf32>
      %get3A_691 = arith.constant 0 : i32
      %get3A_692 = arith.index_cast %get3A_691 : i32 to index
      %get3A_693 = arith.index_cast %scan3A_599 : i32 to index
      %get3A_694 = arith.constant 112 : index
      %get3A_695 = tpu.vector_load %arg7[%get3A_692, %get3A_693, %get3A_694] {strides = array<i32>} : memref<6x64x128xf32, #tpu.memory_space<vmem>>, vector<16xf32>,
      %get3A_696 = arith.constant 0 : i32
      %get3A_697 = arith.index_cast %get3A_696 : i32 to index
      %get3A_698 = arith.index_cast %scan3A_599 : i32 to index
      %get3A_699 = arith.constant 112 : index
      %get3A_700 = tpu.vector_load %arg8[%get3A_697, %get3A_698, %get3A_699] {strides = array<i32>} : memref<6x64x128xf32, #tpu.memory_space<vmem>>, vector<16xf32>,
      %mul3A_701 = arith.mulf %get3A_695, %get3A_700 : vector<16xf32>
      %add3A_702 = arith.addf %scan3A_607, %mul3A_701 : vector<16xf32>
      scf.yield %add3A_618, %add3A_630, %add3A_642, %add3A_654, %add3A_666, %add3A_678, %add3A_690, %add3A_702 : vector<16xf32>, vector<16xf32>, vector<16xf32>, vector<16xf32>, vector<16xf32>, vector<16xf32>, vector<16xf32>, vector<16xf32>
    }
    %scan3A_552 = arith.constant 64 : i32
    %dma_wait3A_553 = arith.constant 1 : i32
    %dma_wait3A_554 = arith.constant 0 : i32
    %dma_wait3A_555 = arith.constant 0 : i32
    %dma_wait3A_556 = tpu.memref_slice %arg7[%dma_wait3A_553, %dma_wait3A_554, %dma_wait3A_555] : memref<6x64x128xf32, #tpu.memory_space<vmem>> -> memref<1x64x128xf32, #tpu.memory_space<vmem>>
    %dma_wait3A_557 = tpu.memref_squeeze %dma_wait3A_556 : memref<1x64x128xf32, #tpu.memory_space<vmem>> -> memref<64x128xf32, #tpu.memory_space<vmem>>
    %dma_wait3A_558 = arith.constant 0 : i32
    %dma_wait3A_559 = arith.constant 0 : i32
    %dma_wait3A_560 = tpu.memref_slice %dma_wait3A_557[%dma_wait3A_558, %dma_wait3A_559] : memref<64x128xf32, #tpu.memory_space<vmem>> -> memref<64x128xf32, #tpu.memory_space<vmem>>
    %dma_wait3A_561 = arith.constant 448 : i32
    %dma_wait3A_562 = tpu.memref_slice %arg6[%dma_wait3A_561] : memref<512xi32, #tpu.memory_space<vmem>> -> memref<64xi32, #tpu.memory_space<vmem>>
    %dma_wait3A_563 = arith.constant 0 : i32
    %dma_wait3A_564 = arith.constant 0 : i32
    %dma_wait3A_565 = tpu.memref_slice %arg4[%dma_wait3A_563, %dma_wait3A_564] : memref<1000000x128xf32, #tpu.memory_space<hbm>> -> memref<1000000x128xf32, #tpu.memory_space<hbm>>
    tpu.wait_indirect_dma semaphore(%arg11 : memref<!tpu.dma_semaphore, #tpu.memory_space<semaphore_mem>>) src(%dma_wait3A_565 : memref<1000000x128xf32, #tpu.memory_space<hbm>>) dst(%dma_wait3A_560 : memref<64x128xf32, #tpu.memory_space<vmem>>)
    %dma_wait3A_566 = arith.constant 1 : i32
    %dma_wait3A_567 = arith.constant 0 : i32
    %dma_wait3A_568 = arith.constant 0 : i32
    %dma_wait3A_569 = tpu.memref_slice %arg8[%dma_wait3A_566, %dma_wait3A_567, %dma_wait3A_568] : memref<6x64x128xf32, #tpu.memory_space<vmem>> -> memref<1x64x128xf32, #tpu.memory_space<vmem>>
    %dma_wait3A_570 = tpu.memref_squeeze %dma_wait3A_569 : memref<1x64x128xf32, #tpu.memory_space<vmem>> -> memref<64x128xf32, #tpu.memory_space<vmem>>
    %dma_wait3A_571 = arith.constant 0 : i32
    %dma_wait3A_572 = arith.constant 0 : i32
    %dma_wait3A_573 = tpu.memref_slice %dma_wait3A_570[%dma_wait3A_571, %dma_wait3A_572] : memref<64x128xf32, #tpu.memory_space<vmem>> -> memref<64x128xf32, #tpu.memory_space<vmem>>
    %dma_wait3A_574 = arith.constant 0 : i32
    %dma_wait3A_575 = tpu.memref_slice %arg2[%add3A_343, %dma_wait3A_574] : memref<16384x128xf32, #tpu.memory_space<hbm>> -> memref<64x128xf32, #tpu.memory_space<hbm>>
    %dma_wait3A_576 = arith.constant 0 : i32
    %dma_wait3A_577 = arith.constant 0 : i32
    %dma_wait3A_578 = tpu.memref_slice %arg8[%dma_wait3A_566, %dma_wait3A_576, %dma_wait3A_577] : memref<6x64x128xf32, #tpu.memory_space<vmem>> -> memref<1x64x128xf32, #tpu.memory_space<vmem>>
    %dma_wait3A_579 = tpu.memref_squeeze %dma_wait3A_578 : memref<1x64x128xf32, #tpu.memory_space<vmem>> -> memref<64x128xf32, #tpu.memory_space<vmem>>
    %dma_wait3A_580 = arith.constant 0 : i32
    %dma_wait3A_581 = arith.constant 0 : i32
    %dma_wait3A_582 = tpu.memref_slice %dma_wait3A_579[%dma_wait3A_580, %dma_wait3A_581] : memref<64x128xf32, #tpu.memory_space<vmem>> -> memref<64x128xf32, #tpu.memory_space<vmem>>
    %dma_wait3A_583 = arith.constant 0 : i32
    %dma_wait3A_584 = tpu.memref_slice %arg2[%add3A_343, %dma_wait3A_583] : memref<16384x128xf32, #tpu.memory_space<hbm>> -> memref<64x128xf32, #tpu.memory_space<hbm>>
    tpu.wait_dma2 semaphore(%arg17 : memref<!tpu.dma_semaphore, #tpu.memory_space<semaphore_mem>>) src(%dma_wait3A_584 : memref<64x128xf32, #tpu.memory_space<hbm>>) dst(%dma_wait3A_582 : memref<64x128xf32, #tpu.memory_space<vmem>>)
    %scan3A_585 = arith.constant 0 : i32
    %scan3A_586 = arith.constant 64 : i32
    %scan3A_587 = arith.addi %scan3A_585, %scan3A_586 : i32
    %scan3A_588 = arith.constant 1 : i32
    %scan3A_589:8 = scf.for %scan3A_599 = %scan3A_585 to %scan3A_587 step %scan3A_588 iter_args(%scan3A_600 = %scan3A_551#0, %scan3A_601 = %scan3A_551#1, %scan3A_602 = %scan3A_551#2, %scan3A_603 = %scan3A_551#3, %scan3A_604 = %scan3A_551#4, %scan3A_605 = %scan3A_551#5, %scan3A_606 = %scan3A_551#6, %scan3A_607 = %scan3A_551#7) -> (vector<16xf32>, vector<16xf32>, vector<16xf32>, vector<16xf32>, vector<16xf32>, vector<16xf32>, vector<16xf32>, vector<16xf32>)  : i32 {
      %get3A = arith.constant 1 : i32
      %get3A_608 = arith.index_cast %get3A : i32 to index
      %get3A_609 = arith.index_cast %scan3A_599 : i32 to index
      %get3A_610 = arith.constant 0 : index
      %get3A_611 = tpu.vector_load %arg7[%get3A_608, %get3A_609, %get3A_610] {strides = array<i32>} : memref<6x64x128xf32, #tpu.memory_space<vmem>>, vector<16xf32>,
      %get3A_612 = arith.constant 1 : i32
      %get3A_613 = arith.index_cast %get3A_612 : i32 to index
      %get3A_614 = arith.index_cast %scan3A_599 : i32 to index
      %get3A_615 = arith.constant 0 : index
      %get3A_616 = tpu.vector_load %arg8[%get3A_613, %get3A_614, %get3A_615] {strides = array<i32>} : memref<6x64x128xf32, #tpu.memory_space<vmem>>, vector<16xf32>,
      %mul3A_617 = arith.mulf %get3A_611, %get3A_616 : vector<16xf32>
      %add3A_618 = arith.addf %scan3A_600, %mul3A_617 : vector<16xf32>
      %get3A_619 = arith.constant 1 : i32
      %get3A_620 = arith.index_cast %get3A_619 : i32 to index
      %get3A_621 = arith.index_cast %scan3A_599 : i32 to index
      %get3A_622 = arith.constant 16 : index
      %get3A_623 = tpu.vector_load %arg7[%get3A_620, %get3A_621, %get3A_622] {strides = array<i32>} : memref<6x64x128xf32, #tpu.memory_space<vmem>>, vector<16xf32>,
      %get3A_624 = arith.constant 1 : i32
      %get3A_625 = arith.index_cast %get3A_624 : i32 to index
      %get3A_626 = arith.index_cast %scan3A_599 : i32 to index
      %get3A_627 = arith.constant 16 : index
      %get3A_628 = tpu.vector_load %arg8[%get3A_625, %get3A_626, %get3A_627] {strides = array<i32>} : memref<6x64x128xf32, #tpu.memory_space<vmem>>, vector<16xf32>,
      %mul3A_629 = arith.mulf %get3A_623, %get3A_628 : vector<16xf32>
      %add3A_630 = arith.addf %scan3A_601, %mul3A_629 : vector<16xf32>
      %get3A_631 = arith.constant 1 : i32
      %get3A_632 = arith.index_cast %get3A_631 : i32 to index
      %get3A_633 = arith.index_cast %scan3A_599 : i32 to index
      %get3A_634 = arith.constant 32 : index
      %get3A_635 = tpu.vector_load %arg7[%get3A_632, %get3A_633, %get3A_634] {strides = array<i32>} : memref<6x64x128xf32, #tpu.memory_space<vmem>>, vector<16xf32>,
      %get3A_636 = arith.constant 1 : i32
      %get3A_637 = arith.index_cast %get3A_636 : i32 to index
      %get3A_638 = arith.index_cast %scan3A_599 : i32 to index
      %get3A_639 = arith.constant 32 : index
      %get3A_640 = tpu.vector_load %arg8[%get3A_637, %get3A_638, %get3A_639] {strides = array<i32>} : memref<6x64x128xf32, #tpu.memory_space<vmem>>, vector<16xf32>,
      %mul3A_641 = arith.mulf %get3A_635, %get3A_640 : vector<16xf32>
      %add3A_642 = arith.addf %scan3A_602, %mul3A_641 : vector<16xf32>
      %get3A_643 = arith.constant 1 : i32
      %get3A_644 = arith.index_cast %get3A_643 : i32 to index
      %get3A_645 = arith.index_cast %scan3A_599 : i32 to index
      %get3A_646 = arith.constant 48 : index
      %get3A_647 = tpu.vector_load %arg7[%get3A_644, %get3A_645, %get3A_646] {strides = array<i32>} : memref<6x64x128xf32, #tpu.memory_space<vmem>>, vector<16xf32>,
      %get3A_648 = arith.constant 1 : i32
      %get3A_649 = arith.index_cast %get3A_648 : i32 to index
      %get3A_650 = arith.index_cast %scan3A_599 : i32 to index
      %get3A_651 = arith.constant 48 : index
      %get3A_652 = tpu.vector_load %arg8[%get3A_649, %get3A_650, %get3A_651] {strides = array<i32>} : memref<6x64x128xf32, #tpu.memory_space<vmem>>, vector<16xf32>,
      %mul3A_653 = arith.mulf %get3A_647, %get3A_652 : vector<16xf32>
      %add3A_654 = arith.addf %scan3A_603, %mul3A_653 : vector<16xf32>
      %get3A_655 = arith.constant 1 : i32
      %get3A_656 = arith.index_cast %get3A_655 : i32 to index
      %get3A_657 = arith.index_cast %scan3A_599 : i32 to index
      %get3A_658 = arith.constant 64 : index
      %get3A_659 = tpu.vector_load %arg7[%get3A_656, %get3A_657, %get3A_658] {strides = array<i32>} : memref<6x64x128xf32, #tpu.memory_space<vmem>>, vector<16xf32>,
      %get3A_660 = arith.constant 1 : i32
      %get3A_661 = arith.index_cast %get3A_660 : i32 to index
      %get3A_662 = arith.index_cast %scan3A_599 : i32 to index
      %get3A_663 = arith.constant 64 : index
      %get3A_664 = tpu.vector_load %arg8[%get3A_661, %get3A_662, %get3A_663] {strides = array<i32>} : memref<6x64x128xf32, #tpu.memory_space<vmem>>, vector<16xf32>,
      %mul3A_665 = arith.mulf %get3A_659, %get3A_664 : vector<16xf32>
      %add3A_666 = arith.addf %scan3A_604, %mul3A_665 : vector<16xf32>
      %get3A_667 = arith.constant 1 : i32
      %get3A_668 = arith.index_cast %get3A_667 : i32 to index
      %get3A_669 = arith.index_cast %scan3A_599 : i32 to index
      %get3A_670 = arith.constant 80 : index
      %get3A_671 = tpu.vector_load %arg7[%get3A_668, %get3A_669, %get3A_670] {strides = array<i32>} : memref<6x64x128xf32, #tpu.memory_space<vmem>>, vector<16xf32>,
      %get3A_672 = arith.constant 1 : i32
      %get3A_673 = arith.index_cast %get3A_672 : i32 to index
      %get3A_674 = arith.index_cast %scan3A_599 : i32 to index
      %get3A_675 = arith.constant 80 : index
      %get3A_676 = tpu.vector_load %arg8[%get3A_673, %get3A_674, %get3A_675] {strides = array<i32>} : memref<6x64x128xf32, #tpu.memory_space<vmem>>, vector<16xf32>,
      %mul3A_677 = arith.mulf %get3A_671, %get3A_676 : vector<16xf32>
      %add3A_678 = arith.addf %scan3A_605, %mul3A_677 : vector<16xf32>
      %get3A_679 = arith.constant 1 : i32
      %get3A_680 = arith.index_cast %get3A_679 : i32 to index
      %get3A_681 = arith.index_cast %scan3A_599 : i32 to index
      %get3A_682 = arith.constant 96 : index
      %get3A_683 = tpu.vector_load %arg7[%get3A_680, %get3A_681, %get3A_682] {strides = array<i32>} : memref<6x64x128xf32, #tpu.memory_space<vmem>>, vector<16xf32>,
      %get3A_684 = arith.constant 1 : i32
      %get3A_685 = arith.index_cast %get3A_684 : i32 to index
      %get3A_686 = arith.index_cast %scan3A_599 : i32 to index
      %get3A_687 = arith.constant 96 : index
      %get3A_688 = tpu.vector_load %arg8[%get3A_685, %get3A_686, %get3A_687] {strides = array<i32>} : memref<6x64x128xf32, #tpu.memory_space<vmem>>, vector<16xf32>,
      %mul3A_689 = arith.mulf %get3A_683, %get3A_688 : vector<16xf32>
      %add3A_690 = arith.addf %scan3A_606, %mul3A_689 : vector<16xf32>
      %get3A_691 = arith.constant 1 : i32
      %get3A_692 = arith.index_cast %get3A_691 : i32 to index
      %get3A_693 = arith.index_cast %scan3A_599 : i32 to index
      %get3A_694 = arith.constant 112 : index
      %get3A_695 = tpu.vector_load %arg7[%get3A_692, %get3A_693, %get3A_694] {strides = array<i32>} : memref<6x64x128xf32, #tpu.memory_space<vmem>>, vector<16xf32>,
      %get3A_696 = arith.constant 1 : i32
      %get3A_697 = arith.index_cast %get3A_696 : i32 to index
      %get3A_698 = arith.index_cast %scan3A_599 : i32 to index
      %get3A_699 = arith.constant 112 : index
      %get3A_700 = tpu.vector_load %arg8[%get3A_697, %get3A_698, %get3A_699] {strides = array<i32>} : memref<6x64x128xf32, #tpu.memory_space<vmem>>, vector<16xf32>,
      %mul3A_701 = arith.mulf %get3A_695, %get3A_700 : vector<16xf32>
      %add3A_702 = arith.addf %scan3A_607, %mul3A_701 : vector<16xf32>
      scf.yield %add3A_618, %add3A_630, %add3A_642, %add3A_654, %add3A_666, %add3A_678, %add3A_690, %add3A_702 : vector<16xf32>, vector<16xf32>, vector<16xf32>, vector<16xf32>, vector<16xf32>, vector<16xf32>, vector<16xf32>, vector<16xf32>
    }
    %scan3A_590 = arith.constant 64 : i32
    %add3A_591 = arith.addf %scan3A_589#0, %scan3A_589#1 : vector<16xf32>
    %add3A_592 = arith.addf %add3A_591, %scan3A_589#2 : vector<16xf32>
    %add3A_593 = arith.addf %add3A_592, %scan3A_589#3 : vector<16xf32>
    %add3A_594 = arith.addf %add3A_593, %scan3A_589#4 : vector<16xf32>
    %add3A_595 = arith.addf %add3A_594, %scan3A_589#5 : vector<16xf32>
    %add3A_596 = arith.addf %add3A_595, %scan3A_589#6 : vector<16xf32>
    %add3A_597 = arith.addf %add3A_596, %scan3A_589#7 : vector<16xf32>
    %swap3A = arith.constant 0 : index
    %swap3A_598 = tpu.vector_load %arg9[%swap3A] {strides = array<i32>} : memref<16xf32, #tpu.memory_space<vmem>>, vector<16xf32>,
    tpu.vector_store %arg9[%swap3A], %add3A_597 {strides = array<i32>} : memref<16xf32, #tpu.memory_space<vmem>>, vector<16xf32>,
    "tpu.region"() ({
      %run_scoped3A = tpu.sem_alloc : memref<!tpu.dma_semaphore, #tpu.memory_space<semaphore_mem>>
      %dma_start3A_599 = arith.constant 0 : i32
      %dma_start3A_600 = tpu.memref_slice %arg5[%add3A, %dma_start3A_599] : memref<32x16xf32, #tpu.memory_space<hbm>> -> memref<1x16xf32, #tpu.memory_space<hbm>>
      %dma_start3A_601 = tpu.memref_squeeze %dma_start3A_600 : memref<1x16xf32, #tpu.memory_space<hbm>> -> memref<16xf32, #tpu.memory_space<hbm>>
      %dma_start3A_602 = arith.constant 0 : i32
      %dma_start3A_603 = tpu.memref_slice %arg5[%add3A, %dma_start3A_602] : memref<32x16xf32, #tpu.memory_space<hbm>> -> memref<1x16xf32, #tpu.memory_space<hbm>>
      %dma_start3A_604 = tpu.memref_squeeze %dma_start3A_603 : memref<1x16xf32, #tpu.memory_space<hbm>> -> memref<16xf32, #tpu.memory_space<hbm>>
      tpu.enqueue_dma source(%arg9 : memref<16xf32, #tpu.memory_space<vmem>>) target(%dma_start3A_604 : memref<16xf32, #tpu.memory_space<hbm>>) target_semaphore(%run_scoped3A : memref<!tpu.dma_semaphore, #tpu.memory_space<semaphore_mem>>)
      %dma_wait3A_605 = arith.constant 0 : i32
      %dma_wait3A_606 = tpu.memref_slice %arg5[%add3A, %dma_wait3A_605] : memref<32x16xf32, #tpu.memory_space<hbm>> -> memref<1x16xf32, #tpu.memory_space<hbm>>
      %dma_wait3A_607 = tpu.memref_squeeze %dma_wait3A_606 : memref<1x16xf32, #tpu.memory_space<hbm>> -> memref<16xf32, #tpu.memory_space<hbm>>
      %dma_wait3A_608 = arith.constant 0 : i32
      %dma_wait3A_609 = tpu.memref_slice %arg5[%add3A, %dma_wait3A_608] : memref<32x16xf32, #tpu.memory_space<hbm>> -> memref<1x16xf32, #tpu.memory_space<hbm>>
      %dma_wait3A_610 = tpu.memref_squeeze %dma_wait3A_609 : memref<1x16xf32, #tpu.memory_space<hbm>> -> memref<16xf32, #tpu.memory_space<hbm>>
      tpu.wait_dma2 semaphore(%run_scoped3A : memref<!tpu.dma_semaphore, #tpu.memory_space<semaphore_mem>>) src(%arg9 : memref<16xf32, #tpu.memory_space<vmem>>) dst(%dma_wait3A_610 : memref<16xf32, #tpu.memory_space<hbm>>)
      tpu.yield
    }) : () -> ()
    return
  }
}

module attributes {stable_mosaic.version = 14 : i64} {
  func.func @_tc_body(%arg0: i32, %arg1: memref<8192x128xf32, #tpu.memory_space<vmem>>, %arg2: memref<1x1xf32, #tpu.memory_space<smem>>) attributes {dimension_semantics = [#tpu.dimension_semantics<arbitrary>], iteration_bounds = array<i64: 2>, scalar_prefetch = 0 : i64, scratch_operands = 0 : i64, tpu.core_type = #tpu.core_type<tc>, window_params = [{transform_indices = @transform_0, window_bounds = array<i64: 8192, 128>}, {transform_indices = @transform_1, window_bounds = array<i64: 1, 1>}]} {
    %get3A = arith.constant 0 : index
    %get3A_0 = arith.constant 0 : index
    %get3A_1 = vector.load %arg1[%get3A, %get3A_0] : memref<8192x128xf32, #tpu.memory_space<vmem>>, vector<8192x128xf32>
    %max3A = arith.constant 0.000000e+00 : f32
    %max3A_2 = vector.broadcast %max3A : f32 to vector<8192x128xf32>
    %max3A_3 = arith.maximumf %get3A_1, %max3A_2 : vector<8192x128xf32>
    %abs3A = math.absf %get3A_1 : vector<8192x128xf32>
    %neg3A = arith.constant 0.000000e+00 : f32
    %neg3A_4 = vector.broadcast %neg3A : f32 to vector<8192x128xf32>
    %neg3A_5 = arith.subf %neg3A_4, %abs3A : vector<8192x128xf32>
    %exp3A = math.exp %neg3A_5 : vector<8192x128xf32>
    %log1p3A = math.log1p %exp3A : vector<8192x128xf32>
    %add3A = arith.addf %max3A_3, %log1p3A : vector<8192x128xf32>
    %reduce_sum3A = vector.shape_cast %add3A : vector<8192x128xf32> to vector<1x8192x128xf32>
    %reduce_sum3A_6 = arith.constant dense<0.000000e+00> : vector<1xf32>
    %reduce_sum3A_7 = vector.multi_reduction <add>, %reduce_sum3A, %reduce_sum3A_6 [1, 2] : vector<1x8192x128xf32> to vector<1xf32>
    %reduce_sum3A_8 = vector.shape_cast %reduce_sum3A_7 : vector<1xf32> to vector<1x1x1xf32>
    %reduce_sum3A_9 = vector.extract %reduce_sum3A_8[0, 0, 0] : f32 from vector<1x1x1xf32>
    %eq3A = arith.constant 0 : i32
    %eq3A_10 = arith.cmpi eq, %arg0, %eq3A : i32
    %convert_element_type3A = arith.extui %eq3A_10 : i1 to i32
    %cond3A = arith.constant 0 : i32
    %cond3A_11 = arith.cmpi ne, %convert_element_type3A, %cond3A : i32
    scf.if %cond3A_11 {
      %swap3A_18 = arith.constant 0.000000e+00 : f32
      %swap3A_19 = arith.constant 0 : index
      %swap3A_20 = arith.constant 0 : index
      %swap3A_21 = memref.load %arg2[%swap3A_19, %swap3A_20] : memref<1x1xf32, #tpu.memory_space<smem>>
      memref.store %swap3A_18, %arg2[%swap3A_19, %swap3A_20] : memref<1x1xf32, #tpu.memory_space<smem>>
    } else {
    }
    %get3A_12 = arith.constant 0 : index
    %get3A_13 = arith.constant 0 : index
    %get3A_14 = memref.load %arg2[%get3A_12, %get3A_13] : memref<1x1xf32, #tpu.memory_space<smem>>
    %add3A_15 = arith.addf %get3A_14, %reduce_sum3A_9 : f32
    %swap3A = arith.constant 0 : index
    %swap3A_16 = arith.constant 0 : index
    %swap3A_17 = memref.load %arg2[%swap3A, %swap3A_16] : memref<1x1xf32, #tpu.memory_space<smem>>
    memref.store %add3A_15, %arg2[%swap3A, %swap3A_16] : memref<1x1xf32, #tpu.memory_space<smem>>
    return
  }
  func.func @transform_0(%arg0: i32) -> (i32, i32) {
    %c0_i32 = arith.constant 0 : i32
    %c0_i32_0 = arith.constant 0 : i32
    return %arg0, %c0_i32 : i32, i32
  }
  func.func @transform_1(%arg0: i32) -> (i32, i32) {
    %c0_i32 = arith.constant 0 : i32
    %c0_i32_0 = arith.constant 0 : i32
    %c0_i32_1 = arith.constant 0 : i32
    return %c0_i32, %c0_i32_0 : i32, i32
  }
}

module attributes {stable_mosaic.version = 14 : i64} {
  func.func @_tc_combine_body(%arg0: memref<1x1xf32, #tpu.memory_space<smem>>, %arg1: memref<32x16xf32, #tpu.memory_space<vmem>>, %arg2: memref<1x1xf32, #tpu.memory_space<smem>>) attributes {dimension_semantics = [], scalar_prefetch = 0 : i64, scratch_operands = 0 : i64, tpu.core_type = #tpu.core_type<tc>} {
    %get3A = arith.constant 0 : index
    %get3A_0 = arith.constant 0 : index
    %get3A_1 = memref.load %arg0[%get3A, %get3A_0] : memref<1x1xf32, #tpu.memory_space<smem>>
    %get3A_2 = arith.constant 0 : index
    %get3A_3 = arith.constant 0 : index
    %get3A_4 = vector.load %arg1[%get3A_2, %get3A_3] : memref<32x16xf32, #tpu.memory_space<vmem>>, vector<32x16xf32>
    %reduce_sum3A = vector.shape_cast %get3A_4 : vector<32x16xf32> to vector<1x32x16xf32>
    %reduce_sum3A_5 = arith.constant dense<0.000000e+00> : vector<1xf32>
    %reduce_sum3A_6 = vector.multi_reduction <add>, %reduce_sum3A, %reduce_sum3A_5 [1, 2] : vector<1x32x16xf32> to vector<1xf32>
    %reduce_sum3A_7 = vector.shape_cast %reduce_sum3A_6 : vector<1xf32> to vector<1x1x1xf32>
    %reduce_sum3A_8 = vector.extract %reduce_sum3A_7[0, 0, 0] : f32 from vector<1x1x1xf32>
    %sub3A = arith.subf %get3A_1, %reduce_sum3A_8 : f32
    %mul3A = arith.constant 4.76837158E-7 : f32
    %mul3A_9 = arith.mulf %sub3A, %mul3A : f32
    %swap3A = arith.constant 0 : index
    %swap3A_10 = arith.constant 0 : index
    %swap3A_11 = memref.load %arg2[%swap3A, %swap3A_10] : memref<1x1xf32, #tpu.memory_space<smem>>
    memref.store %mul3A_9, %arg2[%swap3A, %swap3A_10] : memref<1x1xf32, #tpu.memory_space<smem>>
    return
  }
}

</mosaic_0001>

<sc_bundles>
// kernel: kernel.5.cloned.1.call-start
scs
__scs_entry_jumppad:
0x0: {  	(pc) =	sbr.rel $0x88, $3  }
0x1: {  	(tag) =	ssettag $0x0;
	lr =	simm.s32 $0x1  }
0x2: {  	[smem:$0x3F9E] =	sst lr;
	_ =	strace $0xD0000000  }
0x3: {  	_ = 	snop  }
0x4: {  	_ = 	snop  }
0x5: {  	_ = 	snop  }
0x6: {  	_ = 	snop  }
0x7: {  	_ = 	snop  }
__scs_overlays_trampoline_lowered:
0x8: {  	[smem:$0x3FAD] =	sst s0  }
0x9: {  	[smem:$0x3FAE] =	sst s1  }
0xa: {  	[smem:$0x3FAF] =	sst s2  }
0xb: {  	[smem:$0x3FB0] =	sst s3  }
0xc: {  	[smem:$0x3FB1] =	sst s4  }
0xd: {  	[smem:$0x3FB2] =	sst s5  }
0xe: {  	[smem:$0x3FB3] =	sst s6  }
0xf: {  	[smem:$0x3FB4] =	sst s7  }
0x10: {  	[smem:$0x3FB5] =	sst s8  }
0x11: {  	[smem:$0x3FB6] =	sst s9;
	s0 =	simm.s32 @!p0 $0x0  }
0x12: {  	s1 =	sld [smem:$0x3F9C];
	s0 =	simm.s32 @p0 $0x1  }
0x13: {  	[smem:$0x3FB7] =	sst s0;
	s0 =	simm.s32 @!p1 $0x0  }
0x14: {  	s2 =	sld [smem:$0x3F9B];
	s0 =	simm.s32 @p1 $0x1  }
0x15: {  	[smem:$0x3FB8] =	sst s0;
	s0 =	simm.s32 @!p2 $0x0  }
0x16: {  	s3 =	sld [smem:$0x3FDB];
	s0 =	simm.s32 @p2 $0x1  }
0x17: {  	s4 =	simm.s32 $0x1BF5;
	[smem:$0x3FBA] =	sst s0  }
0x18: {  	s0 =	sld [smem:$0x3F9D];
	_ =	swait.ge [sflag:s4], $0x0  }
0x19: {  	s7 =	sld [smem:$0x3F9E]  }
0x1a: {  	s8 =	sadd.s32 $0xFFFFE003, lr  }
0x1b: {  	s9 =	sadd.s32 $0xFFFFFEF7, lr;
	s5 =	simm.s32 $0xFFFFFFFF;
	p2 =	slt.u32 s8, $0xFFFFF086  }
0x1c: {  	p1 =	slt.u32 s9, $0xF7A;
	s5 =	simm.s32 @!p2 $0x0  }
0x1d: {  	s5 =	simm.s32 @p1 $0x1;
	p0 =	seq.s32 s7, s2  }
0x1e: {  	s7 =	smul.u32 @!p0 $0xF7A, s2;
	p2 =	seq.s32 @!p0 s5, $0x0  }
0x1f: {  	s9 =	smul.u32 $0xF7A, s1;
	s8 =	simm.s32 @!p0 $0x1BF5;
	p2 =	por !p2, p0  }
0x20: {  	[sflag:s8] =	ssyncset.s32 @!p0 $0xFFFFF086;
	s6 =	sadd.s32 @!p0 s3, s7;
	s7 =	simm.s32 @!p0 $0x108  }
0x21: {  	s3 =	sadd.s32 s3, s9;
	s6 =	sadd.s32 @!p0 $0x88, s6;
	s7 =	simm.s32 @p2 $0x1082  }
0x22: {  	[simem:s7], [sflag:s8] =	dma.local @!p0 [hbm:s6], $0xF7A  }
0x23: {  	s9 =	sor.u32 $0xD0000000, s2;
	s6 =	simm.s32 $0x108;
	_ =	swait.ge @!p0 [sflag:s8], $0x0  }
0x24: {  	s3 =	sadd.s32 $0x88, s3;
	s6 =	simm.s32 @!p1 $0x1082;
	[sflag:s4] =	ssyncset.s32 $0xFFFFF086  }
0x25: {  	[simem:s6], [sflag:s4] =	dma.local [hbm:s3], $0xF7A  }
0x26: {  	[smem:$0x3F9E] =	sst s1;
	(tag) =	ssettag s2;
	_ =	strace s9  }
0x27: {  	s1 =	sld [smem:$0x3FAE]  }
0x28: {  	s2 =	sld [smem:$0x3FAF]  }
0x29: {  	s4 =	sld [smem:$0x3FB1]  }
0x2a: {  	p0 =	seq.s32 s5, $0x0;
	s5 =	sld [smem:$0x3FB2]  }
0x2b: {  	s6 =	sld [smem:$0x3FB3]  }
0x2c: {  	s7 =	sld [smem:$0x3FB4]  }
0x2d: {  	s3 =	simm.s32 $0x108;
	s8 =	sld [smem:$0x3FB5]  }
0x2e: {  	s3 =	simm.s32 @!p0 $0x1082;
	s9 =	sld [smem:$0x3FB6]  }
0x2f: {  	lr =	sadd.s32 s0, s3;
	s0 =	sld [smem:$0x3FAD]  }
0x30: {  	s3 =	sld [smem:$0x3FB0]  }
0x31: {  	[smem:$0x3FB9] =	sst s10  }
0x32: {  	s10 =	sld [smem:$0x3FB7];
	_ =	sdelay $0x3  }
0x33: {  	p0 =	seq.s32 s10, $0x1;
	s10 =	sld [smem:$0x3FB9];
	_ =	sdelay $0x3  }
0x34: {  	[smem:$0x3FB9] =	sst s10  }
0x35: {  	s10 =	sld [smem:$0x3FB8];
	_ =	sdelay $0x3  }
0x36: {  	p1 =	seq.s32 s10, $0x1;
	s10 =	sld [smem:$0x3FB9];
	_ =	sdelay $0x3  }
0x37: {  	[smem:$0x3FB9] =	sst s10  }
0x38: {  	s10 =	sld [smem:$0x3FBA]  }
0x39: {  	_ = 	snop;
	(pc) =	sbr.ind lr, $3  }
0x3a: {  	_ = 	snop  }
0x3b: {  	_ = 	snop  }
0x3c: {  	p2 =	seq.s32 s10, $0x1;
	s10 =	sld [smem:$0x3FB9]  }
0x3d: {  	_ =	shalt  }
0x3e: {  	_ =	shalt  }
0x3f: {  	_ =	shalt  }
0x40: {  	_ =	shalt  }
0x41: {  	_ =	shalt  }
0x42: {  	_ =	shalt  }
0x43: {  	_ =	shalt  }
0x44: {  	_ =	shalt  }
0x45: {  	_ =	shalt  }
0x46: {  	_ =	shalt  }
0x47: {  	_ =	shalt  }
0x48: {  	_ =	shalt  }
0x49: {  	_ =	shalt  }
0x4a: {  	_ =	shalt  }
0x4b: {  	_ =	shalt  }
0x4c: {  	_ =	shalt  }
0x4d: {  	_ =	shalt  }
0x4e: {  	_ =	shalt  }
0x4f: {  	_ =	shalt  }
0x50: {  	_ =	shalt  }
0x51: {  	_ =	shalt  }
0x52: {  	_ =	shalt  }
0x53: {  	_ =	shalt  }
0x54: {  	_ =	shalt  }
0x55: {  	_ =	shalt  }
0x56: {  	_ =	shalt  }
0x57: {  	_ =	shalt  }
0x58: {  	_ =	shalt  }
0x59: {  	_ =	shalt  }
0x5a: {  	_ =	shalt  }
0x5b: {  	_ =	shalt  }
0x5c: {  	_ =	shalt  }
0x5d: {  	_ =	shalt  }
0x5e: {  	_ =	shalt  }
0x5f: {  	_ =	shalt  }
0x60: {  	_ =	shalt  }
0x61: {  	_ =	shalt  }
0x62: {  	_ =	shalt  }
0x63: {  	_ =	shalt  }
0x64: {  	_ =	shalt  }
0x65: {  	_ =	shalt  }
0x66: {  	_ =	shalt  }
0x67: {  	_ =	shalt  }
0x68: {  	_ =	shalt  }
0x69: {  	_ =	shalt  }
0x6a: {  	_ =	shalt  }
0x6b: {  	_ =	shalt  }
0x6c: {  	_ =	shalt  }
0x6d: {  	_ =	shalt  }
0x6e: {  	_ =	shalt  }
0x6f: {  	_ =	shalt  }
0x70: {  	_ =	shalt  }
0x71: {  	_ =	shalt  }
0x72: {  	_ =	shalt  }
0x73: {  	_ =	shalt  }
0x74: {  	_ =	shalt  }
0x75: {  	_ =	shalt  }
0x76: {  	_ =	shalt  }
0x77: {  	_ =	shalt  }
0x78: {  	_ =	shalt  }
0x79: {  	_ =	shalt  }
0x7a: {  	_ =	shalt  }
0x7b: {  	_ =	shalt  }
0x7c: {  	_ =	shalt  }
0x7d: {  	_ =	shalt  }
0x7e: {  	_ =	shalt  }
0x7f: {  	_ =	shalt  }
0x80: {  	_ =	shalt  }
0x81: {  	_ =	shalt  }
0x82: {  	_ =	shalt  }
0x83: {  	_ =	shalt  }
0x84: {  	_ =	shalt  }
0x85: {  	_ =	shalt  }
0x86: {  	_ =	shalt  }
0x87: {  	_ =	shalt  }
.Lfunc_end0:
.L_simem_size_0:
called_computation_lowered:
.L_overlay_start_0:
0x88: {  	s2 =	sld [smem:$0x3FD9]  }
0x89: {  	s3 =	sld [smem:$0x3FFE];
	_ =	sdelay $0x1  }
0x8a: {  	s1 =	srdreg.scid  }
0x8b: {  	s0 =	sand.u32 $0x1, s1  }
0x8c: {  	s17 =	sshll.u32 s0, $0xA;
	s2 =	sadd.s32 s3, s2  }
0x8d: {  	s2 =	sadd.s32 s2, s17  }
0x8e: {  	[smem:$0x3FC5] =	sst s2  }
0x8f: {  	_ = 	snop  }
0x90: {  	s2 =	sld [smem:$0x3FC9]  }
0x91: {  	s18 =	sld [smem:$0x3FC8]  }
0x92: {  	s4 =	sld [smem:$0x3FC7];
	(tm) =	ssettm $0x1  }
0x93: {  	s5 =	sld [smem:$0x3FFB];
	_ =	sdelay $0x3  }
0x94: {  	_ =	strace s5  }
0x95: {  	s5 =	sld [smem:$0x3FFC];
	_ =	sdelay $0x3  }
0x96: {  	_ =	strace s5  }
0x97: {  	s5 =	sld [smem:$0x3FFD];
	_ =	sdelay $0x3  }
0x98: {  	_ =	strace s5  }
0x99: {  	_ =	strace $0x8FFFFFFF  }
0x9a: {  	s19 =	sld [smem:$0x3FDB];
	_ =	sdelay $0x1  }
0x9b: {  	s6 =	simm.s32 $_scs_section_size  }
0x9c: {  	s7 =	simm.s32 $_size__tile_overlayer_lowered;
	s8 =	simm.s32 $_tile_overlayer_lowered  }
0x9d: {  	s22 =	simm.s32 $0x1BFF;
	s21 =	sshll.u32 s8, $0x1;
	s5 =	sadd.s32 s6, s19  }
0x9e: {  	s9 =	simm.s32 $0x0;
	s20 =	sshll.u32 s7, $0x1;
	s7 =	sadd.s32 s21, s5  }
0x9f: {  	[timem:s9], [sflag:s22] =	dma.local [hbm:s7], s20  }
0xa0: {  	_ =	swait.ge [sflag:s22], s20  }
0xa1: {  	s6 =	ssub.s32 $0x0, s20;
	[sflag:s22] =	ssyncset.done $0x0  }
0xa2: {  	[sflag:s22] =	ssyncadd.s32 s6;
	_ =	sdelay $0x1  }
0xa3: {  	s23 =	simm.s32 $0x1B8B  }
0xa4: {  	_ =	swait.ge [sflag:s23], $0x1  }
0xa5: {  	[sflag:s23] =	ssyncset.done $0x0  }
0xa6: {  	s25 =	simm.s32 $0x1B8E;
	s24 =	sld [smem:$0x3FFE];
	[sflag:s23] =	ssyncadd.s32 $0xFFFFFFFF  }
0xa7: {  	s26 =	simm.s32 $execute0_lowered;
	[smem:$0x3FD2] =	sst s25  }
0xa8: {  	s7 =	sshll.u32 s26, $0x1;
	_ =	strace $0x80000046;
	[dreg:$0x1] =	wrdreg $0xFFFFFFFF  }
0xa9: {  	s28 =	simm.s32 $_size_execute0_lowered;
	s5 =	sadd.s32 s5, s7;
	[dreg:$0x0] =	wrdreg $0x0  }
0xaa: {  	s7 =	sshll.u32 s28, $0x1;
	[dreg:$0x2] =	wrdreg s5  }
0xab: {  	[dreg:$0x3] =	wrdreg s7  }
0xac: {  	[dreg:$0x4] =	wrdreg $0xC0  }
0xad: {  	_ =	task [dreg:s9], $0x5FFFF  }
0xae: {  	[dreg:$0x1] =	wrdreg $0xFFFFFFFF  }
0xaf: {  	[dreg:$0x0] =	wrdreg $0x60  }
0xb0: {  	[dreg:$0x2] =	wrdreg s2  }
0xb1: {  	[dreg:$0x3] =	wrdreg s18  }
0xb2: {  	[dreg:$0x4] =	wrdreg s4  }
0xb3: {  	[dreg:$0x5] =	wrdreg s24  }
0xb4: {  	[dreg:$0x6] =	wrdreg $0x9  }
0xb5: {  	_ =	task.clear_ibuf [dreg:s9], $0x7FFFF;
	_ =	strace $0x90000046  }
0xb6: {  	s29 =	simm.s32 $0x9;
	_ =	strace $0x80000048  }
0xb7: {  	_ =	swait.ge [sflag:s29], $0x1  }
0xb8: {  	[sflag:s29] =	ssyncadd.s32 $0xFFFFFFFF  }
0xb9: {  	_ =	strace $0x90000048  }
0xba: {  	_ =	sfence  }
0xbb: {  	s30 =	sld [smem:$0x0];
	_ =	sdelay $0x2  }
0xbc: {  	s31 =	sshll.u32 s1, $0xD;
	s1 =	sshrl.u32 s1, $0x2  }
0xbd: {  	s3 =	sand.u32 $0x4000, s31;
	s1 =	sadd.s32 s1, s30  }
0xbe: {  	s0 =	sor.u32 s3, s0;
	s1 =	sshll.u32 s1, $0x11  }
0xbf: {  	s0 =	sor.u32 s1, s0  }
0xc0: {  	s0 =	sadd.s32 $0x8F2B, s0  }
0xc1: {  	[sflag:s0] =	ssyncadd.remote.s32 $0x1  }
0xc2: {  	_ =	sfence.sel $0xFFFF  }
0xc3: {  	[dreg:$0x0] =	wrdreg $0xFFFFFFFF;
	(pc) =	sbr.abs _section_cstart, $3  }
0xc4: {  	[dreg:$0x1] =	wrdreg $0xFFFFFFFF  }
0xc5: {  	_ =	task.clear_ibuf [dreg:s9], $0x2FFFF;
	_ =	strace $0x9FFFFFFF  }
0xc6: {  	(tm) =	ssettm $0x7FFFFFFF  }
0xc7: {  	_ =	shalt  }
tec
execute0_lowered:
.L_overlay_start_1:
0x0: {  	(tag) =	ssettag $0x1  }
0x1: {  	s0 =	rddreg [dreg:$0x0]  }
0x2: {  	s1 =	rddreg [dreg:$0x1]  }
0x3: {  	s2 =	rddreg [dreg:$0x2]  }
0x4: {  	s4 =	rddreg [dreg:$0x3]  }
0x5: {  	s5 =	srdreg.scid;
	s6 =	stileid.u32;
	s3 =	simm.s32 $0x0  }
0x6: {  	s15 =	simm.s32 $0xD;
	s16 =	simm.s32 $0x40;
	s20 =	simm.s32 $0xE200  }
0x7: {  	s21 =	simm.s32 $0x1;
	s22 =	simm.s32 $0x7;
	s28 =	simm.s32 $0x3  }
0x8: {  	s29 =	simm.s32 $0x9;
	s30 =	simm.s32 $0x4;
	s31 =	simm.s32 $0xA  }
0x9: {  	s23 =	simm.s32 $0x6;
	s5 =	sand.u32 $0x1, s5;
	s6 =	sshll.u32 s6, $0x1  }
0xa: {  	s17 =	simm.s32 $0x0;
	[smem:$0x7FF] =	sst s3;
	s6 =	sor.u32 s5, s6  }
0xb: {  	_ =	strace $0x80000047;
	s5 =	ssub.s32 $0x2, s5;
	s7 =	sshll.u32 s6, $0x4  }
0xc: {  	s24 =	sshll.u32 s6, $0xD;
	s25 =	sshrl.u32 s5, $0x1;
	s6 =	sshll.u32 s6, $0x6  }
0xd: {  	s13 =	sadd.s32 s7, s4;
	s4 =	sadd.s32 s0, s24;
	s26 =	ssub.s32 s5, s25  }
0xe: {  	s5 =	sadd.s32 s1, s6;
	s24 =	simm.s32 $0x2;
	s25 =	simm.s32 $0x8  }
0xf: {  	s0 =	simm.s32 $0x5;
	s1 =	simm.s32 $0xB;
	s6 =	sadd.s32 $0x400, s4  }
0x10: {  	s7 =	sadd.s32 $0x800, s4;
	s8 =	sadd.s32 $0xC00, s4;
	s9 =	sadd.s32 $0x1000, s4  }
0x11: {  	s10 =	sadd.s32 $0x1400, s4;
	s11 =	sadd.s32 $0x1800, s4;
	s12 =	sadd.s32 $0x1C00, s4  }
0x12: {  	s13 =	sadd.s32 $0x800, s13;
	s14 =	smax.u32 s26, $0x1;
	s26 =	simm.s32 $0xC  }
.LBB2_1:
0x13: {  	[tilespmem:s3], [sflag:$0xD] =	stream.linear.gather [hbm4b:s5+s3], $0x200, $0x38;
	[tilespmem:$0x18280] =	vst v63  }
0x14: {  	_ =	swait.ge [sflag:s15], $0x200  }
0x15: {  	[sflag:s15] =	ssyncset.done $0x0  }
0x16: {  	s18 =	simm.s32 $0x200;
	[sflag:s15] =	ssyncadd.s32 $0xFFFFFE00  }
0x17: {  	[tilespmem:s18], [sflag:$0x1] =	stream.indirect.gather [hbm4b:s2+s16], $0x80, s3, s16, $0xb8;
	[tilespmem:$0x18280] =	vst v63  }
0x18: {  	s19 =	simm.s32 $0xC200  }
0x19: {  	[tilespmem:s19], [sflag:$0x7] =	stream.linear.gather [hbm4b:s4+s3], $0x2000, $0x38;
	[tilespmem:$0x18280] =	vst v63  }
0x1a: {  	s19 =	simm.s32 $0x2200  }
0x1b: {  	[tilespmem:s19], [sflag:$0x2] =	stream.indirect.gather [hbm4b:s2+s16], $0x80, s16, s16, $0xb8;
	[tilespmem:$0x18280] =	vst v63  }
0x1c: {  	_ = 	snop  }
0x1d: {  	[tilespmem:s20], [sflag:$0x8] =	stream.linear.gather [hbm4b:s6+s3], $0x2000, $0x38;
	[tilespmem:$0x18280] =	vst v63  }
0x1e: {  	s18 =	simm.s32 $0x80;
	s19 =	simm.s32 $0x4200  }
0x1f: {  	[tilespmem:s19], [sflag:$0x3] =	stream.indirect.gather [hbm4b:s2+s16], $0x80, s18, s16, $0xb8;
	[tilespmem:$0x18280] =	vst v63  }
0x20: {  	s19 =	simm.s32 $0x10200  }
0x21: {  	[tilespmem:s19], [sflag:$0x9] =	stream.linear.gather [hbm4b:s7+s3], $0x2000, $0x38;
	[tilespmem:$0x18280] =	vst v63  }
0x22: {  	s18 =	simm.s32 $0xC0;
	s19 =	simm.s32 $0x6200  }
0x23: {  	[tilespmem:s19], [sflag:$0x4] =	stream.indirect.gather [hbm4b:s2+s16], $0x80, s18, s16, $0xb8;
	[tilespmem:$0x18280] =	vst v63  }
0x24: {  	s19 =	simm.s32 $0x12200  }
0x25: {  	[tilespmem:s19], [sflag:$0xA] =	stream.linear.gather [hbm4b:s8+s3], $0x2000, $0x38;
	[tilespmem:$0x18280] =	vst v63  }
0x26: {  	s18 =	simm.s32 $0x100;
	s19 =	simm.s32 $0x8200  }
0x27: {  	[tilespmem:s19], [sflag:$0x5] =	stream.indirect.gather [hbm4b:s2+s16], $0x80, s18, s16, $0xb8;
	[tilespmem:$0x18280] =	vst v63  }
0x28: {  	s19 =	simm.s32 $0x14200  }
0x29: {  	[tilespmem:s19], [sflag:$0xB] =	stream.linear.gather [hbm4b:s9+s3], $0x2000, $0x38;
	[tilespmem:$0x18280] =	vst v63  }
0x2a: {  	s18 =	simm.s32 $0x140;
	s19 =	simm.s32 $0xA200  }
0x2b: {  	[tilespmem:s19], [sflag:$0x6] =	stream.indirect.gather [hbm4b:s2+s16], $0x80, s18, s16, $0xb8;
	[tilespmem:$0x18280] =	vst v63  }
0x2c: {  	s19 =	simm.s32 $0x16200  }
0x2d: {  	[tilespmem:s19], [sflag:$0xC] =	stream.linear.gather [hbm4b:s10+s3], $0x2000, $0x38;
	[tilespmem:$0x18280] =	vst v63  }
0x2e: {  	_ =	swait.ge [sflag:s21], $0x2000  }
0x2f: {  	[sflag:s21] =	ssyncset.done $0x0  }
0x30: {  	[sflag:s21] =	ssyncadd.s32 $0xFFFFE000  }
0x31: {  	_ =	swait.ge [sflag:s22], $0x2000  }
0x32: {  	[sflag:s22] =	ssyncset.done $0x0  }
0x33: {  	s19 =	simm.s32 $0x0;
	[sflag:s22] =	ssyncadd.s32 $0xFFFFE000  }
0x34: {  	v0 =	vld [tilespmem:s19+$0x270]  }
0x35: {  	v1 =	vld [tilespmem:s19+$0xC270]  }
0x36: {  	v2 =	vld [tilespmem:s19+$0x200]  }
0x37: {  	v3 =	vld [tilespmem:s19+$0xC200]  }
0x38: {  	v5 =	vld [tilespmem:s19+$0x210]  }
0x39: {  	v6 =	vld [tilespmem:s19+$0xC210]  }
0x3a: {  	v7 =	vld [tilespmem:s19+$0x220]  }
0x3b: {  	v9 =	vld [tilespmem:s19+$0xC220]  }
0x3c: {  	v10 =	vld [tilespmem:s19+$0x230]  }
0x3d: {  	v11 =	vld [tilespmem:s19+$0xC230]  }
0x3e: {  	v13 =	vld [tilespmem:s19+$0x240]  }
0x3f: {  	v14 =	vld [tilespmem:s19+$0xC240]  }
0x40: {  	v0 =	vmul.f32 v1, v0  }
0x41: {  	v4 =	vimm.f32 $0.0e+00;
	v8 =	vld [tilespmem:s19+$0x250];
	v1 =	vmul.f32 v3, v2;
	v2 =	vmul.f32 v6, v5  }
0x42: {  	v6 =	vmul.f32 v11, v10;
	v3 =	vadd.f32 v0, v4;
	v0 =	vmul.f32 v9, v7;
	v9 =	vld [tilespmem:s19+$0xC250]  }
0x43: {  	v12 =	vld [tilespmem:s19+$0xC260];
	v5 =	vadd.f32 v1, v4  }
0x44: {  	s18 =	simm.s32 $0x80;
	v10 =	vld [tilespmem:s19+$0x260];
	v13 =	vmul.f32 v14, v13;
	v1 =	vadd.f32 v2, v4;
	v2 =	vadd.f32 v6, v4  }
0x45: {  	v11 =	vld [tilespmem:s18+$0x270];
	s19 =	simm.s32 $0x400;
	v7 =	vimm.f32 $0.0e+00;
	v6 =	vimm.f32 $0.0e+00;
	v0 =	vadd.f32 v0, v4  }
.LBB2_2:
0x46: {  	p0 =	sne.s32 s19, $0x7E00;
	v14 =	vld [tilespmem:s18+$0xC270]  }
0x47: {  	v15 =	vld [tilespmem:s18+$0x200];
	v4 =	vadd.f32 v13, v4;
	v8 =	vmul.f32 v9, v8  }
0x48: {  	v9 =	vld [tilespmem:s18+$0xC200]  }
0x49: {  	v13 =	vld [tilespmem:s18+$0x210];
	v7 =	vadd.f32 v8, v7;
	v8 =	vmul.f32 v12, v10  }
0x4a: {  	v10 =	vld [tilespmem:s18+$0xC210]  }
0x4b: {  	v12 =	vld [tilespmem:s18+$0x220];
	v11 =	vmul.f32 v14, v11;
	v6 =	vadd.f32 v8, v6  }
0x4c: {  	v8 =	vld [tilespmem:s18+$0xC220]  }
0x4d: {  	v9 =	vmul.f32 v9, v15;
	v14 =	vld [tilespmem:s18+$0x230];
	v3 =	vadd.f32 v11, v3  }
0x4e: {  	v11 =	vld [tilespmem:s18+$0xC230]  }
0x4f: {  	v5 =	vadd.f32 v9, v5;
	v9 =	vmul.f32 v10, v13;
	v13 =	vld [tilespmem:s18+$0x240]  }
0x50: {  	v15 =	vld [tilespmem:s18+$0xC240]  }
.Ltmp0:
0x51: {  	v1 =	vadd.f32 v9, v1;
	v10 =	vmul.f32 v8, v12;
	v8 =	vld [tilespmem:s18+$0x250];
	(pc) =	sbr.rel @p0 .LBB2_2-.Ltmp0, $4  }
0x52: {  	v9 =	vld [tilespmem:s18+$0xC250]  }
0x53: {  	v0 =	vadd.f32 v10, v0;
	v14 =	vmul.f32 v11, v14;
	v10 =	vld [tilespmem:s18+$0x260]  }
0x54: {  	v12 =	vld [tilespmem:s18+$0xC260];
	s18 =	sshra.s32 s19, $0x2  }
0x55: {  	s19 =	sadd.s32 $0x200, s19;
	v11 =	vld [tilespmem:s18+$0x270];
	v2 =	vadd.f32 v14, v2;
	v13 =	vmul.f32 v15, v13  }
0x56: {  	v14 =	vld [tilespmem:s18+$0xC270]  }
0x57: {  	v15 =	vld [tilespmem:s18+$0x200]  }
0x58: {  	v16 =	vld [tilespmem:s18+$0xC200]  }
0x59: {  	v17 =	vld [tilespmem:s18+$0x210]  }
0x5a: {  	v18 =	vld [tilespmem:s18+$0xC210]  }
0x5b: {  	v19 =	vld [tilespmem:s18+$0x220]  }
0x5c: {  	v20 =	vld [tilespmem:s18+$0xC220]  }
0x5d: {  	v21 =	vld [tilespmem:s18+$0x230]  }
0x5e: {  	v22 =	vld [tilespmem:s18+$0xC230]  }
0x5f: {  	v23 =	vld [tilespmem:s18+$0x240]  }
0x60: {  	v24 =	vld [tilespmem:s18+$0xC240]  }
0x61: {  	v25 =	vld [tilespmem:s18+$0x250]  }
0x62: {  	v26 =	vld [tilespmem:s18+$0xC250]  }
0x63: {  	v27 =	vld [tilespmem:s18+$0x260]  }
0x64: {  	v28 =	vld [tilespmem:s18+$0xC260];
	s18 =	simm.s32 $0x200;
	s19 =	simm.s32 $0x180  }
0x65: {  	[tilespmem:s18], [sflag:$0x1] =	stream.indirect.gather [hbm4b:s2+s16], $0x80, s19, s16, $0xb8;
	[tilespmem:$0x18280] =	vst v63  }
0x66: {  	s18 =	simm.s32 $0x0;
	s19 =	simm.s32 $0xC200  }
0x67: {  	[tilespmem:s19], [sflag:$0x7] =	stream.linear.gather [hbm4b:s11+s18], $0x2000, $0x38;
	[tilespmem:$0x18280] =	vst v63  }
0x68: {  	_ =	swait.ge [sflag:s24], $0x2000  }
0x69: {  	[sflag:s24] =	ssyncset.done $0x0  }
0x6a: {  	[sflag:s24] =	ssyncadd.s32 $0xFFFFE000  }
0x6b: {  	_ =	swait.ge [sflag:s25], $0x2000  }
0x6c: {  	[sflag:s25] =	ssyncset.done $0x0  }
0x6d: {  	s19 =	simm.s32 $0x0;
	[sflag:s25] =	ssyncadd.s32 $0xFFFFE000  }
0x6e: {  	v29 =	vld [tilespmem:s19+$0x2270]  }
0x6f: {  	v30 =	vld [tilespmem:s19+$0xE270]  }
0x70: {  	v31 =	vld [tilespmem:s19+$0x2200]  }
0x71: {  	v32 =	vld [tilespmem:s19+$0xE200]  }
0x72: {  	v33 =	vld [tilespmem:s19+$0x2210]  }
0x73: {  	v8 =	vmul.f32 v9, v8;
	v9 =	vld [tilespmem:s19+$0xE210]  }
0x74: {  	v10 =	vmul.f32 v12, v10;
	v11 =	vmul.f32 v14, v11;
	v12 =	vld [tilespmem:s19+$0x2220]  }
0x75: {  	v4 =	vadd.f32 v13, v4;
	v7 =	vadd.f32 v8, v7;
	v8 =	vmul.f32 v16, v15;
	v13 =	vld [tilespmem:s19+$0xE220]  }
0x76: {  	v6 =	vadd.f32 v10, v6;
	v10 =	vmul.f32 v18, v17;
	v3 =	vadd.f32 v11, v3;
	v11 =	vld [tilespmem:s19+$0x2230]  }
0x77: {  	v14 =	vmul.f32 v22, v21;
	v5 =	vadd.f32 v8, v5;
	v8 =	vmul.f32 v20, v19;
	v15 =	vld [tilespmem:s19+$0xE230]  }
0x78: {  	v59 =	vadd.f32 v10, v1;
	v1 =	vmul.f32 v24, v23;
	v10 =	vmul.f32 v26, v25;
	v60 =	vld [tilespmem:s19+$0x2240]  }
0x79: {  	v14 =	vadd.f32 v14, v2;
	v2 =	vmul.f32 v28, v27;
	v61 =	vadd.f32 v8, v0;
	v62 =	vld [tilespmem:s19+$0xE240]  }
0x7a: {  	v0 =	vadd.f32 v1, v4;
	v1 =	vadd.f32 v10, v7;
	v8 =	vld [tilespmem:s19+$0x2250];
	v4 =	vmul.f32 v30, v29  }
0x7b: {  	v2 =	vadd.f32 v2, v6;
	v7 =	vmul.f32 v32, v31;
	v63 =	vmul.f32 v9, v33;
	v9 =	vld [tilespmem:s19+$0xE250]  }
0x7c: {  	v10 =	vld [tilespmem:s19+$0x2260];
	v6 =	vadd.f32 v4, v3;
	v3 =	vmul.f32 v13, v12;
	v13 =	vmul.f32 v15, v11  }
0x7d: {  	s18 =	simm.s32 $0x80;
	v7 =	vadd.f32 v7, v5;
	v4 =	vadd.f32 v63, v59;
	v12 =	vld [tilespmem:s19+$0xE260]  }
0x7e: {  	v11 =	vld [tilespmem:s18+$0x2270];
	s19 =	simm.s32 $0x400;
	v3 =	vadd.f32 v3, v61;
	v5 =	vadd.f32 v13, v14;
	v13 =	vmul.f32 v62, v60  }
.LBB2_4:
0x7f: {  	p0 =	sne.s32 s19, $0x7E00;
	v14 =	vld [tilespmem:s18+$0xE270]  }
0x80: {  	v15 =	vld [tilespmem:s18+$0x2200];
	v0 =	vadd.f32 v13, v0;
	v8 =	vmul.f32 v9, v8  }
0x81: {  	v9 =	vld [tilespmem:s18+$0xE200]  }
0x82: {  	v13 =	vld [tilespmem:s18+$0x2210];
	v1 =	vadd.f32 v8, v1;
	v8 =	vmul.f32 v12, v10  }
0x83: {  	v10 =	vld [tilespmem:s18+$0xE210]  }
0x84: {  	v12 =	vld [tilespmem:s18+$0x2220];
	v11 =	vmul.f32 v14, v11;
	v2 =	vadd.f32 v8, v2  }
0x85: {  	v8 =	vld [tilespmem:s18+$0xE220]  }
0x86: {  	v9 =	vmul.f32 v9, v15;
	v14 =	vld [tilespmem:s18+$0x2230];
	v6 =	vadd.f32 v11, v6  }
0x87: {  	v11 =	vld [tilespmem:s18+$0xE230]  }
0x88: {  	v7 =	vadd.f32 v9, v7;
	v9 =	vmul.f32 v10, v13;
	v13 =	vld [tilespmem:s18+$0x2240]  }
0x89: {  	v15 =	vld [tilespmem:s18+$0xE240]  }
.Ltmp1:
0x8a: {  	v4 =	vadd.f32 v9, v4;
	v10 =	vmul.f32 v8, v12;
	v8 =	vld [tilespmem:s18+$0x2250];
	(pc) =	sbr.rel @p0 .LBB2_4-.Ltmp1, $4  }
0x8b: {  	v9 =	vld [tilespmem:s18+$0xE250]  }
0x8c: {  	v3 =	vadd.f32 v10, v3;
	v14 =	vmul.f32 v11, v14;
	v10 =	vld [tilespmem:s18+$0x2260]  }
0x8d: {  	v12 =	vld [tilespmem:s18+$0xE260];
	s18 =	sshra.s32 s19, $0x2  }
0x8e: {  	s19 =	sadd.s32 $0x200, s19;
	v11 =	vld [tilespmem:s18+$0x2270];
	v5 =	vadd.f32 v14, v5;
	v13 =	vmul.f32 v15, v13  }
0x8f: {  	v14 =	vld [tilespmem:s18+$0xE270]  }
0x90: {  	v15 =	vld [tilespmem:s18+$0x2200]  }
0x91: {  	v16 =	vld [tilespmem:s18+$0xE200]  }
0x92: {  	v17 =	vld [tilespmem:s18+$0x2210]  }
0x93: {  	v18 =	vld [tilespmem:s18+$0xE210]  }
0x94: {  	v19 =	vld [tilespmem:s18+$0x2220]  }
0x95: {  	v20 =	vld [tilespmem:s18+$0xE220]  }
0x96: {  	v21 =	vld [tilespmem:s18+$0x2230]  }
0x97: {  	v22 =	vld [tilespmem:s18+$0xE230]  }
0x98: {  	v23 =	vld [tilespmem:s18+$0x2240]  }
0x99: {  	v24 =	vld [tilespmem:s18+$0xE240]  }
0x9a: {  	v25 =	vld [tilespmem:s18+$0x2250]  }
0x9b: {  	v26 =	vld [tilespmem:s18+$0xE250]  }
0x9c: {  	v27 =	vld [tilespmem:s18+$0x2260]  }
0x9d: {  	v28 =	vld [tilespmem:s18+$0xE260];
	s18 =	simm.s32 $0x2200;
	s19 =	simm.s32 $0x1C0  }
0x9e: {  	[tilespmem:s18], [sflag:$0x2] =	stream.indirect.gather [hbm4b:s2+s16], $0x80, s19, s16, $0xb8;
	[tilespmem:$0x18280] =	vst v63  }
0x9f: {  	s19 =	simm.s32 $0x0  }
0xa0: {  	[tilespmem:s20], [sflag:$0x8] =	stream.linear.gather [hbm4b:s12+s19], $0x2000, $0x38;
	[tilespmem:$0x18280] =	vst v63  }
0xa1: {  	_ =	swait.ge [sflag:s28], $0x2000  }
0xa2: {  	[sflag:s28] =	ssyncset.done $0x0  }
0xa3: {  	[sflag:s28] =	ssyncadd.s32 $0xFFFFE000  }
0xa4: {  	_ =	swait.ge [sflag:s29], $0x2000  }
0xa5: {  	[sflag:s29] =	ssyncset.done $0x0  }
0xa6: {  	s19 =	simm.s32 $0x0;
	[sflag:s29] =	ssyncadd.s32 $0xFFFFE000  }
0xa7: {  	v29 =	vld [tilespmem:s19+$0x4270]  }
0xa8: {  	v30 =	vld [tilespmem:s19+$0x10270]  }
0xa9: {  	v31 =	vld [tilespmem:s19+$0x4200]  }
0xaa: {  	v32 =	vld [tilespmem:s19+$0x10200]  }
0xab: {  	v33 =	vld [tilespmem:s19+$0x4210]  }
0xac: {  	v8 =	vmul.f32 v9, v8;
	v9 =	vld [tilespmem:s19+$0x10210]  }
0xad: {  	v10 =	vmul.f32 v12, v10;
	v11 =	vmul.f32 v14, v11;
	v12 =	vld [tilespmem:s19+$0x4220]  }
0xae: {  	v0 =	vadd.f32 v13, v0;
	v1 =	vadd.f32 v8, v1;
	v8 =	vmul.f32 v16, v15;
	v13 =	vld [tilespmem:s19+$0x10220]  }
0xaf: {  	v2 =	vadd.f32 v10, v2;
	v10 =	vmul.f32 v18, v17;
	v6 =	vadd.f32 v11, v6;
	v11 =	vld [tilespmem:s19+$0x4230]  }
0xb0: {  	v14 =	vmul.f32 v22, v21;
	v60 =	vmul.f32 v26, v25;
	v7 =	vadd.f32 v8, v7;
	v15 =	vld [tilespmem:s19+$0x10230]  }
0xb1: {  	v8 =	vmul.f32 v20, v19;
	v4 =	vadd.f32 v10, v4;
	v10 =	vmul.f32 v24, v23;
	v61 =	vld [tilespmem:s19+$0x4240]  }
0xb2: {  	v5 =	vadd.f32 v14, v5;
	v14 =	vmul.f32 v28, v27;
	v1 =	vadd.f32 v60, v1;
	v62 =	vld [tilespmem:s19+$0x10240]  }
0xb3: {  	v3 =	vadd.f32 v8, v3;
	v0 =	vadd.f32 v10, v0;
	v8 =	vld [tilespmem:s19+$0x4250];
	v10 =	vmul.f32 v30, v29  }
0xb4: {  	v2 =	vadd.f32 v14, v2;
	v14 =	vmul.f32 v32, v31;
	v63 =	vmul.f32 v9, v33;
	v9 =	vld [tilespmem:s19+$0x10250]  }
0xb5: {  	v13 =	vmul.f32 v13, v12;
	v15 =	vmul.f32 v15, v11;
	v12 =	vld [tilespmem:s19+$0x10260];
	v6 =	vadd.f32 v10, v6  }
0xb6: {  	s18 =	simm.s32 $0x80;
	v10 =	vld [tilespmem:s19+$0x4260];
	v7 =	vadd.f32 v14, v7;
	v4 =	vadd.f32 v63, v4  }
0xb7: {  	v11 =	vld [tilespmem:s18+$0x4270];
	v3 =	vadd.f32 v13, v3;
	s19 =	simm.s32 $0x400;
	v5 =	vadd.f32 v15, v5;
	v13 =	vmul.f32 v62, v61  }
.LBB2_6:
0xb8: {  	p0 =	sne.s32 s19, $0x7E00;
	v14 =	vld [tilespmem:s18+$0x10270]  }
0xb9: {  	v15 =	vld [tilespmem:s18+$0x4200];
	v0 =	vadd.f32 v13, v0;
	v8 =	vmul.f32 v9, v8  }
0xba: {  	v9 =	vld [tilespmem:s18+$0x10200]  }
0xbb: {  	v13 =	vld [tilespmem:s18+$0x4210];
	v1 =	vadd.f32 v8, v1;
	v8 =	vmul.f32 v12, v10  }
0xbc: {  	v10 =	vld [tilespmem:s18+$0x10210]  }
0xbd: {  	v12 =	vld [tilespmem:s18+$0x4220];
	v11 =	vmul.f32 v14, v11;
	v2 =	vadd.f32 v8, v2  }
0xbe: {  	v8 =	vld [tilespmem:s18+$0x10220]  }
0xbf: {  	v9 =	vmul.f32 v9, v15;
	v14 =	vld [tilespmem:s18+$0x4230];
	v6 =	vadd.f32 v11, v6  }
0xc0: {  	v11 =	vld [tilespmem:s18+$0x10230]  }
0xc1: {  	v7 =	vadd.f32 v9, v7;
	v9 =	vmul.f32 v10, v13;
	v13 =	vld [tilespmem:s18+$0x4240]  }
0xc2: {  	v15 =	vld [tilespmem:s18+$0x10240]  }
.Ltmp2:
0xc3: {  	v4 =	vadd.f32 v9, v4;
	v10 =	vmul.f32 v8, v12;
	v8 =	vld [tilespmem:s18+$0x4250];
	(pc) =	sbr.rel @p0 .LBB2_6-.Ltmp2, $4  }
0xc4: {  	v9 =	vld [tilespmem:s18+$0x10250]  }
0xc5: {  	v3 =	vadd.f32 v10, v3;
	v14 =	vmul.f32 v11, v14;
	v10 =	vld [tilespmem:s18+$0x4260]  }
0xc6: {  	v12 =	vld [tilespmem:s18+$0x10260];
	s18 =	sshra.s32 s19, $0x2  }
0xc7: {  	s19 =	sadd.s32 $0x200, s19;
	v11 =	vld [tilespmem:s18+$0x4270];
	v5 =	vadd.f32 v14, v5;
	v13 =	vmul.f32 v15, v13  }
0xc8: {  	v14 =	vld [tilespmem:s18+$0x10270]  }
0xc9: {  	v15 =	vld [tilespmem:s18+$0x4200]  }
0xca: {  	v16 =	vld [tilespmem:s18+$0x10200]  }
0xcb: {  	v17 =	vld [tilespmem:s18+$0x4210]  }
0xcc: {  	v18 =	vld [tilespmem:s18+$0x10210]  }
0xcd: {  	v19 =	vld [tilespmem:s18+$0x4220]  }
0xce: {  	v20 =	vld [tilespmem:s18+$0x10220]  }
0xcf: {  	v21 =	vld [tilespmem:s18+$0x4230]  }
0xd0: {  	v22 =	vld [tilespmem:s18+$0x10230]  }
0xd1: {  	v23 =	vld [tilespmem:s18+$0x4240]  }
0xd2: {  	v24 =	vld [tilespmem:s18+$0x10240]  }
0xd3: {  	v25 =	vld [tilespmem:s18+$0x4250]  }
0xd4: {  	v26 =	vld [tilespmem:s18+$0x10250]  }
0xd5: {  	v27 =	vld [tilespmem:s18+$0x4260]  }
0xd6: {  	v28 =	vld [tilespmem:s18+$0x10260];
	_ =	swait.ge [sflag:s30], $0x2000  }
0xd7: {  	[sflag:s30] =	ssyncset.done $0x0  }
0xd8: {  	[sflag:s30] =	ssyncadd.s32 $0xFFFFE000  }
0xd9: {  	_ =	swait.ge [sflag:s31], $0x2000  }
0xda: {  	[sflag:s31] =	ssyncset.done $0x0  }
0xdb: {  	s19 =	simm.s32 $0x0;
	[sflag:s31] =	ssyncadd.s32 $0xFFFFE000  }
0xdc: {  	v29 =	vld [tilespmem:s19+$0x6270]  }
0xdd: {  	v30 =	vld [tilespmem:s19+$0x12270]  }
0xde: {  	v31 =	vld [tilespmem:s19+$0x6200]  }
0xdf: {  	v32 =	vld [tilespmem:s19+$0x12200]  }
0xe0: {  	v33 =	vld [tilespmem:s19+$0x6210]  }
0xe1: {  	v8 =	vmul.f32 v9, v8;
	v9 =	vld [tilespmem:s19+$0x12210]  }
0xe2: {  	v0 =	vadd.f32 v13, v0;
	v10 =	vmul.f32 v12, v10;
	v12 =	vld [tilespmem:s19+$0x6220]  }
0xe3: {  	v1 =	vadd.f32 v8, v1;
	v11 =	vmul.f32 v14, v11;
	v8 =	vmul.f32 v16, v15;
	v13 =	vld [tilespmem:s19+$0x12220]  }
0xe4: {  	v2 =	vadd.f32 v10, v2;
	v10 =	vmul.f32 v18, v17;
	v14 =	vmul.f32 v22, v21;
	v15 =	vld [tilespmem:s19+$0x12230]  }
0xe5: {  	v60 =	vmul.f32 v26, v25;
	v6 =	vadd.f32 v11, v6;
	v11 =	vld [tilespmem:s19+$0x6230];
	v7 =	vadd.f32 v8, v7  }
0xe6: {  	v61 =	vld [tilespmem:s19+$0x6240];
	v8 =	vmul.f32 v20, v19;
	v4 =	vadd.f32 v10, v4;
	v10 =	vmul.f32 v24, v23  }
0xe7: {  	v62 =	vld [tilespmem:s19+$0x12240];
	v5 =	vadd.f32 v14, v5;
	v14 =	vmul.f32 v28, v27;
	v1 =	vadd.f32 v60, v1  }
0xe8: {  	v3 =	vadd.f32 v8, v3;
	v0 =	vadd.f32 v10, v0;
	v8 =	vld [tilespmem:s19+$0x6250];
	v10 =	vmul.f32 v30, v29  }
0xe9: {  	v2 =	vadd.f32 v14, v2;
	v14 =	vmul.f32 v32, v31;
	v63 =	vmul.f32 v9, v33;
	v9 =	vld [tilespmem:s19+$0x12250]  }
0xea: {  	v13 =	vmul.f32 v13, v12;
	v12 =	vld [tilespmem:s19+$0x12260];
	v15 =	vmul.f32 v15, v11;
	v6 =	vadd.f32 v10, v6  }
0xeb: {  	s18 =	simm.s32 $0x80;
	v10 =	vld [tilespmem:s19+$0x6260];
	v7 =	vadd.f32 v14, v7;
	v4 =	vadd.f32 v63, v4  }
0xec: {  	v11 =	vld [tilespmem:s18+$0x6270];
	v3 =	vadd.f32 v13, v3;
	s19 =	simm.s32 $0x400;
	v13 =	vmul.f32 v62, v61;
	v5 =	vadd.f32 v15, v5  }
.LBB2_8:
0xed: {  	p0 =	sne.s32 s19, $0x7E00;
	v14 =	vld [tilespmem:s18+$0x12270]  }
0xee: {  	v15 =	vld [tilespmem:s18+$0x6200];
	v0 =	vadd.f32 v13, v0;
	v8 =	vmul.f32 v9, v8  }
0xef: {  	v9 =	vld [tilespmem:s18+$0x12200]  }
0xf0: {  	v13 =	vld [tilespmem:s18+$0x6210];
	v1 =	vadd.f32 v8, v1;
	v8 =	vmul.f32 v12, v10  }
0xf1: {  	v10 =	vld [tilespmem:s18+$0x12210]  }
0xf2: {  	v12 =	vld [tilespmem:s18+$0x6220];
	v11 =	vmul.f32 v14, v11;
	v2 =	vadd.f32 v8, v2  }
0xf3: {  	v8 =	vld [tilespmem:s18+$0x12220]  }
0xf4: {  	v9 =	vmul.f32 v9, v15;
	v14 =	vld [tilespmem:s18+$0x6230];
	v6 =	vadd.f32 v11, v6  }
0xf5: {  	v11 =	vld [tilespmem:s18+$0x12230]  }
0xf6: {  	v7 =	vadd.f32 v9, v7;
	v9 =	vmul.f32 v10, v13;
	v13 =	vld [tilespmem:s18+$0x6240]  }
0xf7: {  	v15 =	vld [tilespmem:s18+$0x12240]  }
.Ltmp3:
0xf8: {  	v4 =	vadd.f32 v9, v4;
	v10 =	vmul.f32 v8, v12;
	v8 =	vld [tilespmem:s18+$0x6250];
	(pc) =	sbr.rel @p0 .LBB2_8-.Ltmp3, $4  }
0xf9: {  	v9 =	vld [tilespmem:s18+$0x12250]  }
0xfa: {  	v3 =	vadd.f32 v10, v3;
	v14 =	vmul.f32 v11, v14;
	v10 =	vld [tilespmem:s18+$0x6260]  }
0xfb: {  	v12 =	vld [tilespmem:s18+$0x12260];
	s18 =	sshra.s32 s19, $0x2  }
0xfc: {  	s19 =	sadd.s32 $0x200, s19;
	v11 =	vld [tilespmem:s18+$0x6270];
	v5 =	vadd.f32 v14, v5;
	v13 =	vmul.f32 v15, v13  }
0xfd: {  	v14 =	vld [tilespmem:s18+$0x12270]  }
0xfe: {  	v15 =	vld [tilespmem:s18+$0x6200]  }
0xff: {  	v16 =	vld [tilespmem:s18+$0x12200]  }
0x100: {  	v17 =	vld [tilespmem:s18+$0x6210]  }
0x101: {  	v18 =	vld [tilespmem:s18+$0x12210]  }
0x102: {  	v19 =	vld [tilespmem:s18+$0x6220]  }
0x103: {  	v20 =	vld [tilespmem:s18+$0x12220]  }
0x104: {  	v21 =	vld [tilespmem:s18+$0x6230]  }
0x105: {  	v22 =	vld [tilespmem:s18+$0x12230]  }
0x106: {  	v23 =	vld [tilespmem:s18+$0x6240]  }
0x107: {  	v24 =	vld [tilespmem:s18+$0x12240]  }
0x108: {  	v25 =	vld [tilespmem:s18+$0x6250]  }
0x109: {  	v26 =	vld [tilespmem:s18+$0x12250]  }
0x10a: {  	v27 =	vld [tilespmem:s18+$0x6260]  }
0x10b: {  	v28 =	vld [tilespmem:s18+$0x12260];
	_ =	swait.ge [sflag:s0], $0x2000  }
0x10c: {  	[sflag:s0] =	ssyncset.done $0x0  }
0x10d: {  	[sflag:s0] =	ssyncadd.s32 $0xFFFFE000  }
0x10e: {  	_ =	swait.ge [sflag:s1], $0x2000  }
0x10f: {  	[sflag:s1] =	ssyncset.done $0x0  }
0x110: {  	s19 =	simm.s32 $0x0;
	[sflag:s1] =	ssyncadd.s32 $0xFFFFE000  }
0x111: {  	v29 =	vld [tilespmem:s19+$0x8270]  }
0x112: {  	v30 =	vld [tilespmem:s19+$0x14270]  }
0x113: {  	v31 =	vld [tilespmem:s19+$0x8200]  }
0x114: {  	v32 =	vld [tilespmem:s19+$0x14200]  }
0x115: {  	v33 =	vld [tilespmem:s19+$0x8210]  }
0x116: {  	v8 =	vmul.f32 v9, v8;
	v9 =	vld [tilespmem:s19+$0x14210]  }
0x117: {  	v0 =	vadd.f32 v13, v0;
	v10 =	vmul.f32 v12, v10;
	v12 =	vld [tilespmem:s19+$0x8220]  }
0x118: {  	v1 =	vadd.f32 v8, v1;
	v11 =	vmul.f32 v14, v11;
	v8 =	vmul.f32 v16, v15;
	v13 =	vld [tilespmem:s19+$0x14220]  }
0x119: {  	v2 =	vadd.f32 v10, v2;
	v10 =	vmul.f32 v18, v17;
	v14 =	vmul.f32 v22, v21;
	v15 =	vld [tilespmem:s19+$0x14230]  }
0x11a: {  	v60 =	vmul.f32 v26, v25;
	v6 =	vadd.f32 v11, v6;
	v11 =	vld [tilespmem:s19+$0x8230];
	v7 =	vadd.f32 v8, v7  }
0x11b: {  	v61 =	vld [tilespmem:s19+$0x8240];
	v8 =	vmul.f32 v20, v19;
	v4 =	vadd.f32 v10, v4;
	v10 =	vmul.f32 v24, v23  }
0x11c: {  	v62 =	vld [tilespmem:s19+$0x14240];
	v5 =	vadd.f32 v14, v5;
	v14 =	vmul.f32 v28, v27;
	v1 =	vadd.f32 v60, v1  }
0x11d: {  	v3 =	vadd.f32 v8, v3;
	v0 =	vadd.f32 v10, v0;
	v8 =	vld [tilespmem:s19+$0x8250];
	v10 =	vmul.f32 v30, v29  }
0x11e: {  	v2 =	vadd.f32 v14, v2;
	v14 =	vmul.f32 v32, v31;
	v63 =	vmul.f32 v9, v33;
	v9 =	vld [tilespmem:s19+$0x14250]  }
0x11f: {  	v13 =	vmul.f32 v13, v12;
	v12 =	vld [tilespmem:s19+$0x14260];
	v15 =	vmul.f32 v15, v11;
	v6 =	vadd.f32 v10, v6  }
0x120: {  	s18 =	simm.s32 $0x80;
	v10 =	vld [tilespmem:s19+$0x8260];
	v7 =	vadd.f32 v14, v7;
	v4 =	vadd.f32 v63, v4  }
0x121: {  	v11 =	vld [tilespmem:s18+$0x8270];
	v3 =	vadd.f32 v13, v3;
	s19 =	simm.s32 $0x400;
	v13 =	vmul.f32 v62, v61;
	v5 =	vadd.f32 v15, v5  }
.LBB2_10:
0x122: {  	p0 =	sne.s32 s19, $0x7E00;
	v14 =	vld [tilespmem:s18+$0x14270]  }
0x123: {  	v15 =	vld [tilespmem:s18+$0x8200];
	v0 =	vadd.f32 v13, v0;
	v8 =	vmul.f32 v9, v8  }
0x124: {  	v9 =	vld [tilespmem:s18+$0x14200]  }
0x125: {  	v13 =	vld [tilespmem:s18+$0x8210];
	v1 =	vadd.f32 v8, v1;
	v8 =	vmul.f32 v12, v10  }
0x126: {  	v10 =	vld [tilespmem:s18+$0x14210]  }
0x127: {  	v12 =	vld [tilespmem:s18+$0x8220];
	v11 =	vmul.f32 v14, v11;
	v2 =	vadd.f32 v8, v2  }
0x128: {  	v8 =	vld [tilespmem:s18+$0x14220]  }
0x129: {  	v9 =	vmul.f32 v9, v15;
	v14 =	vld [tilespmem:s18+$0x8230];
	v6 =	vadd.f32 v11, v6  }
0x12a: {  	v11 =	vld [tilespmem:s18+$0x14230]  }
0x12b: {  	v7 =	vadd.f32 v9, v7;
	v9 =	vmul.f32 v10, v13;
	v13 =	vld [tilespmem:s18+$0x8240]  }
0x12c: {  	v15 =	vld [tilespmem:s18+$0x14240]  }
.Ltmp4:
0x12d: {  	v4 =	vadd.f32 v9, v4;
	v10 =	vmul.f32 v8, v12;
	v8 =	vld [tilespmem:s18+$0x8250];
	(pc) =	sbr.rel @p0 .LBB2_10-.Ltmp4, $4  }
0x12e: {  	v9 =	vld [tilespmem:s18+$0x14250]  }
0x12f: {  	v3 =	vadd.f32 v10, v3;
	v14 =	vmul.f32 v11, v14;
	v10 =	vld [tilespmem:s18+$0x8260]  }
0x130: {  	v12 =	vld [tilespmem:s18+$0x14260];
	s18 =	sshra.s32 s19, $0x2  }
0x131: {  	s19 =	sadd.s32 $0x200, s19;
	v11 =	vld [tilespmem:s18+$0x8270];
	v5 =	vadd.f32 v14, v5;
	v13 =	vmul.f32 v15, v13  }
0x132: {  	v14 =	vld [tilespmem:s18+$0x14270]  }
0x133: {  	v15 =	vld [tilespmem:s18+$0x8200]  }
0x134: {  	v16 =	vld [tilespmem:s18+$0x14200]  }
0x135: {  	v17 =	vld [tilespmem:s18+$0x8210]  }
0x136: {  	v18 =	vld [tilespmem:s18+$0x14210]  }
0x137: {  	v19 =	vld [tilespmem:s18+$0x8220]  }
0x138: {  	v20 =	vld [tilespmem:s18+$0x14220]  }
0x139: {  	v21 =	vld [tilespmem:s18+$0x8230]  }
0x13a: {  	v22 =	vld [tilespmem:s18+$0x14230]  }
0x13b: {  	v23 =	vld [tilespmem:s18+$0x8240]  }
0x13c: {  	v24 =	vld [tilespmem:s18+$0x14240]  }
0x13d: {  	v25 =	vld [tilespmem:s18+$0x8250]  }
0x13e: {  	v26 =	vld [tilespmem:s18+$0x14250]  }
0x13f: {  	v27 =	vld [tilespmem:s18+$0x8260]  }
0x140: {  	v28 =	vld [tilespmem:s18+$0x14260];
	_ =	swait.ge [sflag:s23], $0x2000  }
0x141: {  	[sflag:s23] =	ssyncset.done $0x0  }
0x142: {  	[sflag:s23] =	ssyncadd.s32 $0xFFFFE000  }
0x143: {  	_ =	swait.ge [sflag:s26], $0x2000  }
0x144: {  	[sflag:s26] =	ssyncset.done $0x0  }
0x145: {  	s19 =	simm.s32 $0x0;
	[sflag:s26] =	ssyncadd.s32 $0xFFFFE000  }
0x146: {  	v29 =	vld [tilespmem:s19+$0xA270]  }
0x147: {  	v30 =	vld [tilespmem:s19+$0x16270]  }
0x148: {  	v31 =	vld [tilespmem:s19+$0xA200]  }
0x149: {  	v32 =	vld [tilespmem:s19+$0x16200]  }
0x14a: {  	v33 =	vld [tilespmem:s19+$0xA210]  }
0x14b: {  	v8 =	vmul.f32 v9, v8;
	v9 =	vld [tilespmem:s19+$0x16210]  }
0x14c: {  	v0 =	vadd.f32 v13, v0;
	v10 =	vmul.f32 v12, v10;
	v12 =	vld [tilespmem:s19+$0xA220]  }
0x14d: {  	v1 =	vadd.f32 v8, v1;
	v11 =	vmul.f32 v14, v11;
	v8 =	vmul.f32 v16, v15;
	v13 =	vld [tilespmem:s19+$0x16220]  }
0x14e: {  	v2 =	vadd.f32 v10, v2;
	v10 =	vmul.f32 v18, v17;
	v14 =	vmul.f32 v22, v21;
	v15 =	vld [tilespmem:s19+$0x16230]  }
0x14f: {  	v60 =	vmul.f32 v26, v25;
	v6 =	vadd.f32 v11, v6;
	v11 =	vld [tilespmem:s19+$0xA230];
	v7 =	vadd.f32 v8, v7  }
0x150: {  	v61 =	vld [tilespmem:s19+$0xA240];
	v8 =	vmul.f32 v20, v19;
	v4 =	vadd.f32 v10, v4;
	v10 =	vmul.f32 v24, v23  }
0x151: {  	v62 =	vld [tilespmem:s19+$0x16240];
	v5 =	vadd.f32 v14, v5;
	v14 =	vmul.f32 v28, v27;
	v1 =	vadd.f32 v60, v1  }
0x152: {  	v3 =	vadd.f32 v8, v3;
	v0 =	vadd.f32 v10, v0;
	v8 =	vld [tilespmem:s19+$0xA250];
	v10 =	vmul.f32 v30, v29  }
0x153: {  	v2 =	vadd.f32 v14, v2;
	v14 =	vmul.f32 v32, v31;
	v63 =	vmul.f32 v9, v33;
	v9 =	vld [tilespmem:s19+$0x16250]  }
0x154: {  	v13 =	vmul.f32 v13, v12;
	v12 =	vld [tilespmem:s19+$0x16260];
	v15 =	vmul.f32 v15, v11;
	v6 =	vadd.f32 v10, v6  }
0x155: {  	s18 =	simm.s32 $0x80;
	v10 =	vld [tilespmem:s19+$0xA260];
	v7 =	vadd.f32 v14, v7;
	v4 =	vadd.f32 v63, v4  }
0x156: {  	v11 =	vld [tilespmem:s18+$0xA270];
	v3 =	vadd.f32 v13, v3;
	s19 =	simm.s32 $0x400;
	v13 =	vmul.f32 v62, v61;
	v5 =	vadd.f32 v15, v5  }
.LBB2_12:
0x157: {  	p0 =	sne.s32 s19, $0x7E00;
	v14 =	vld [tilespmem:s18+$0x16270]  }
0x158: {  	v15 =	vld [tilespmem:s18+$0xA200];
	v0 =	vadd.f32 v13, v0;
	v8 =	vmul.f32 v9, v8  }
0x159: {  	v9 =	vld [tilespmem:s18+$0x16200]  }
0x15a: {  	v13 =	vld [tilespmem:s18+$0xA210];
	v1 =	vadd.f32 v8, v1;
	v8 =	vmul.f32 v12, v10  }
0x15b: {  	v10 =	vld [tilespmem:s18+$0x16210]  }
0x15c: {  	v12 =	vld [tilespmem:s18+$0xA220];
	v11 =	vmul.f32 v14, v11;
	v2 =	vadd.f32 v8, v2  }
0x15d: {  	v8 =	vld [tilespmem:s18+$0x16220]  }
0x15e: {  	v9 =	vmul.f32 v9, v15;
	v14 =	vld [tilespmem:s18+$0xA230];
	v6 =	vadd.f32 v11, v6  }
0x15f: {  	v11 =	vld [tilespmem:s18+$0x16230]  }
0x160: {  	v7 =	vadd.f32 v9, v7;
	v9 =	vmul.f32 v10, v13;
	v13 =	vld [tilespmem:s18+$0xA240]  }
0x161: {  	v15 =	vld [tilespmem:s18+$0x16240]  }
.Ltmp5:
0x162: {  	v4 =	vadd.f32 v9, v4;
	v10 =	vmul.f32 v8, v12;
	v8 =	vld [tilespmem:s18+$0xA250];
	(pc) =	sbr.rel @p0 .LBB2_12-.Ltmp5, $4  }
0x163: {  	v9 =	vld [tilespmem:s18+$0x16250]  }
0x164: {  	v3 =	vadd.f32 v10, v3;
	v14 =	vmul.f32 v11, v14;
	v10 =	vld [tilespmem:s18+$0xA260]  }
0x165: {  	v12 =	vld [tilespmem:s18+$0x16260];
	s18 =	sshra.s32 s19, $0x2  }
0x166: {  	s19 =	sadd.s32 $0x200, s19;
	v11 =	vld [tilespmem:s18+$0xA270];
	v5 =	vadd.f32 v14, v5;
	v13 =	vmul.f32 v15, v13  }
0x167: {  	v14 =	vld [tilespmem:s18+$0x16270]  }
0x168: {  	v15 =	vld [tilespmem:s18+$0xA200]  }
0x169: {  	v16 =	vld [tilespmem:s18+$0x16200]  }
0x16a: {  	v17 =	vld [tilespmem:s18+$0xA210]  }
0x16b: {  	v18 =	vld [tilespmem:s18+$0x16210]  }
0x16c: {  	v19 =	vld [tilespmem:s18+$0xA220]  }
0x16d: {  	v20 =	vld [tilespmem:s18+$0x16220]  }
0x16e: {  	v21 =	vld [tilespmem:s18+$0xA230]  }
0x16f: {  	v22 =	vld [tilespmem:s18+$0x16230]  }
0x170: {  	v23 =	vld [tilespmem:s18+$0xA240]  }
0x171: {  	v24 =	vld [tilespmem:s18+$0x16240]  }
0x172: {  	v25 =	vld [tilespmem:s18+$0xA250]  }
0x173: {  	v26 =	vld [tilespmem:s18+$0x16250]  }
0x174: {  	v27 =	vld [tilespmem:s18+$0xA260]  }
0x175: {  	v28 =	vld [tilespmem:s18+$0x16260];
	_ =	swait.ge [sflag:s21], $0x2000  }
0x176: {  	[sflag:s21] =	ssyncset.done $0x0  }
0x177: {  	[sflag:s21] =	ssyncadd.s32 $0xFFFFE000  }
0x178: {  	_ =	swait.ge [sflag:s22], $0x2000  }
0x179: {  	[sflag:s22] =	ssyncset.done $0x0  }
0x17a: {  	s19 =	simm.s32 $0x0;
	[sflag:s22] =	ssyncadd.s32 $0xFFFFE000  }
0x17b: {  	v29 =	vld [tilespmem:s19+$0x270]  }
0x17c: {  	v30 =	vld [tilespmem:s19+$0xC270]  }
0x17d: {  	v31 =	vld [tilespmem:s19+$0x200]  }
0x17e: {  	v32 =	vld [tilespmem:s19+$0xC200]  }
0x17f: {  	v33 =	vld [tilespmem:s19+$0x210]  }
0x180: {  	v8 =	vmul.f32 v9, v8;
	v9 =	vld [tilespmem:s19+$0xC210]  }
0x181: {  	v0 =	vadd.f32 v13, v0;
	v10 =	vmul.f32 v12, v10;
	v12 =	vld [tilespmem:s19+$0x220]  }
0x182: {  	v1 =	vadd.f32 v8, v1;
	v11 =	vmul.f32 v14, v11;
	v8 =	vmul.f32 v16, v15;
	v13 =	vld [tilespmem:s19+$0xC220]  }
0x183: {  	v2 =	vadd.f32 v10, v2;
	v10 =	vmul.f32 v18, v17;
	v14 =	vmul.f32 v22, v21;
	v15 =	vld [tilespmem:s19+$0xC230]  }
0x184: {  	v60 =	vmul.f32 v26, v25;
	v6 =	vadd.f32 v11, v6;
	v11 =	vld [tilespmem:s19+$0x230];
	v7 =	vadd.f32 v8, v7  }
0x185: {  	v61 =	vld [tilespmem:s19+$0x240];
	v8 =	vmul.f32 v20, v19;
	v4 =	vadd.f32 v10, v4;
	v10 =	vmul.f32 v24, v23  }
0x186: {  	v62 =	vld [tilespmem:s19+$0xC240];
	v5 =	vadd.f32 v14, v5;
	v14 =	vmul.f32 v28, v27;
	v1 =	vadd.f32 v60, v1  }
0x187: {  	v3 =	vadd.f32 v8, v3;
	v0 =	vadd.f32 v10, v0;
	v8 =	vld [tilespmem:s19+$0x250];
	v10 =	vmul.f32 v30, v29  }
0x188: {  	v2 =	vadd.f32 v14, v2;
	v14 =	vmul.f32 v32, v31;
	v63 =	vmul.f32 v9, v33;
	v9 =	vld [tilespmem:s19+$0xC250]  }
0x189: {  	v13 =	vmul.f32 v13, v12;
	v12 =	vld [tilespmem:s19+$0xC260];
	v15 =	vmul.f32 v15, v11;
	v6 =	vadd.f32 v10, v6  }
0x18a: {  	s18 =	simm.s32 $0x80;
	v10 =	vld [tilespmem:s19+$0x260];
	v7 =	vadd.f32 v14, v7;
	v4 =	vadd.f32 v63, v4  }
0x18b: {  	v11 =	vld [tilespmem:s18+$0x270];
	v3 =	vadd.f32 v13, v3;
	s19 =	simm.s32 $0x400;
	v13 =	vmul.f32 v62, v61;
	v5 =	vadd.f32 v15, v5  }
.LBB2_14:
0x18c: {  	p0 =	sne.s32 s19, $0x7E00;
	v14 =	vld [tilespmem:s18+$0xC270]  }
0x18d: {  	v15 =	vld [tilespmem:s18+$0x200];
	v0 =	vadd.f32 v13, v0;
	v8 =	vmul.f32 v9, v8  }
0x18e: {  	v9 =	vld [tilespmem:s18+$0xC200]  }
0x18f: {  	v13 =	vld [tilespmem:s18+$0x210];
	v1 =	vadd.f32 v8, v1;
	v8 =	vmul.f32 v12, v10  }
0x190: {  	v10 =	vld [tilespmem:s18+$0xC210]  }
0x191: {  	v12 =	vld [tilespmem:s18+$0x220];
	v11 =	vmul.f32 v14, v11;
	v2 =	vadd.f32 v8, v2  }
0x192: {  	v8 =	vld [tilespmem:s18+$0xC220]  }
0x193: {  	v9 =	vmul.f32 v9, v15;
	v14 =	vld [tilespmem:s18+$0x230];
	v6 =	vadd.f32 v11, v6  }
0x194: {  	v11 =	vld [tilespmem:s18+$0xC230]  }
0x195: {  	v7 =	vadd.f32 v9, v7;
	v9 =	vmul.f32 v10, v13;
	v13 =	vld [tilespmem:s18+$0x240]  }
0x196: {  	v15 =	vld [tilespmem:s18+$0xC240]  }
.Ltmp6:
0x197: {  	v4 =	vadd.f32 v9, v4;
	v10 =	vmul.f32 v8, v12;
	v8 =	vld [tilespmem:s18+$0x250];
	(pc) =	sbr.rel @p0 .LBB2_14-.Ltmp6, $4  }
0x198: {  	v9 =	vld [tilespmem:s18+$0xC250]  }
0x199: {  	v3 =	vadd.f32 v10, v3;
	v14 =	vmul.f32 v11, v14;
	v10 =	vld [tilespmem:s18+$0x260]  }
0x19a: {  	v12 =	vld [tilespmem:s18+$0xC260];
	s18 =	sshra.s32 s19, $0x2  }
0x19b: {  	s19 =	sadd.s32 $0x200, s19;
	v11 =	vld [tilespmem:s18+$0x270];
	v5 =	vadd.f32 v14, v5;
	v13 =	vmul.f32 v15, v13  }
0x19c: {  	v14 =	vld [tilespmem:s18+$0xC270]  }
0x19d: {  	v15 =	vld [tilespmem:s18+$0x200]  }
0x19e: {  	v16 =	vld [tilespmem:s18+$0xC200]  }
0x19f: {  	v17 =	vld [tilespmem:s18+$0x210]  }
0x1a0: {  	v18 =	vld [tilespmem:s18+$0xC210]  }
0x1a1: {  	v19 =	vld [tilespmem:s18+$0x220]  }
0x1a2: {  	v20 =	vld [tilespmem:s18+$0xC220]  }
0x1a3: {  	v21 =	vld [tilespmem:s18+$0x230]  }
0x1a4: {  	v22 =	vld [tilespmem:s18+$0xC230]  }
0x1a5: {  	v23 =	vld [tilespmem:s18+$0x240]  }
0x1a6: {  	v24 =	vld [tilespmem:s18+$0xC240]  }
0x1a7: {  	v25 =	vld [tilespmem:s18+$0x250]  }
0x1a8: {  	v26 =	vld [tilespmem:s18+$0xC250]  }
0x1a9: {  	v27 =	vld [tilespmem:s18+$0x260]  }
0x1aa: {  	v28 =	vld [tilespmem:s18+$0xC260];
	_ =	swait.ge [sflag:s24], $0x2000  }
0x1ab: {  	[sflag:s24] =	ssyncset.done $0x0  }
0x1ac: {  	[sflag:s24] =	ssyncadd.s32 $0xFFFFE000  }
0x1ad: {  	_ =	swait.ge [sflag:s25], $0x2000  }
0x1ae: {  	[sflag:s25] =	ssyncset.done $0x0  }
0x1af: {  	s19 =	simm.s32 $0x0;
	[sflag:s25] =	ssyncadd.s32 $0xFFFFE000  }
0x1b0: {  	v29 =	vld [tilespmem:s19+$0x2270]  }
0x1b1: {  	v30 =	vld [tilespmem:s19+$0xE270]  }
0x1b2: {  	v31 =	vld [tilespmem:s19+$0x2200]  }
0x1b3: {  	v32 =	vld [tilespmem:s19+$0xE200]  }
0x1b4: {  	v33 =	vld [tilespmem:s19+$0x2210]  }
0x1b5: {  	v8 =	vmul.f32 v9, v8;
	v34 =	vld [tilespmem:s19+$0xE210]  }
0x1b6: {  	v0 =	vadd.f32 v13, v0;
	v9 =	vmul.f32 v12, v10;
	v12 =	vld [tilespmem:s19+$0x2220]  }
0x1b7: {  	v1 =	vadd.f32 v8, v1;
	v10 =	vmul.f32 v14, v11;
	v8 =	vmul.f32 v16, v15;
	v13 =	vld [tilespmem:s19+$0xE220]  }
0x1b8: {  	v11 =	vadd.f32 v9, v2;
	v2 =	vmul.f32 v18, v17;
	v9 =	vmul.f32 v22, v21;
	v14 =	vld [tilespmem:s19+$0xE230]  }
0x1b9: {  	v6 =	vadd.f32 v10, v6;
	v10 =	vld [tilespmem:s19+$0x2230];
	v7 =	vadd.f32 v8, v7;
	v8 =	vmul.f32 v20, v19  }
0x1ba: {  	v15 =	vmul.f32 v26, v25;
	v61 =	vld [tilespmem:s19+$0x2240];
	v4 =	vadd.f32 v2, v4;
	v2 =	vmul.f32 v24, v23  }
0x1bb: {  	v63 =	vld [tilespmem:s19+$0xE240];
	v62 =	vadd.f32 v9, v5;
	v5 =	vmul.f32 v28, v27;
	v8 =	vadd.f32 v8, v3  }
0x1bc: {  	v9 =	vld [tilespmem:s19+$0x2250];
	v3 =	vadd.f32 v2, v0;
	v2 =	vadd.f32 v15, v1;
	v0 =	vmul.f32 v30, v29  }
0x1bd: {  	v1 =	vadd.f32 v5, v11;
	v11 =	vld [tilespmem:s19+$0xE250];
	v5 =	vmul.f32 v32, v31;
	v15 =	vmul.f32 v34, v33  }
0x1be: {  	v13 =	vmul.f32 v13, v12;
	v12 =	vld [tilespmem:s19+$0xE260];
	v14 =	vmul.f32 v14, v10;
	v0 =	vadd.f32 v0, v6  }
0x1bf: {  	s18 =	simm.s32 $0x80;
	v10 =	vld [tilespmem:s19+$0x2260];
	v6 =	vadd.f32 v5, v7;
	v7 =	vadd.f32 v15, v4  }
0x1c0: {  	s19 =	simm.s32 $0x400;
	v5 =	vadd.f32 v13, v8;
	v8 =	vld [tilespmem:s18+$0x2270];
	v13 =	vmul.f32 v63, v61;
	v4 =	vadd.f32 v14, v62  }
.LBB2_16:
0x1c1: {  	p0 =	sne.s32 s19, $0x7E00;
	v14 =	vld [tilespmem:s18+$0xE270]  }
0x1c2: {  	v15 =	vld [tilespmem:s18+$0x2200];
	v3 =	vadd.f32 v13, v3;
	v9 =	vmul.f32 v11, v9  }
0x1c3: {  	v11 =	vld [tilespmem:s18+$0xE200]  }
0x1c4: {  	v13 =	vld [tilespmem:s18+$0x2210];
	v2 =	vadd.f32 v9, v2;
	v9 =	vmul.f32 v12, v10  }
0x1c5: {  	v10 =	vld [tilespmem:s18+$0xE210]  }
0x1c6: {  	v12 =	vld [tilespmem:s18+$0x2220];
	v8 =	vmul.f32 v14, v8;
	v1 =	vadd.f32 v9, v1  }
0x1c7: {  	v9 =	vld [tilespmem:s18+$0xE220]  }
0x1c8: {  	v11 =	vmul.f32 v11, v15;
	v14 =	vld [tilespmem:s18+$0x2230];
	v0 =	vadd.f32 v8, v0  }
0x1c9: {  	v8 =	vld [tilespmem:s18+$0xE230]  }
0x1ca: {  	v6 =	vadd.f32 v11, v6;
	v10 =	vmul.f32 v10, v13;
	v13 =	vld [tilespmem:s18+$0x2240]  }
0x1cb: {  	v15 =	vld [tilespmem:s18+$0xE240]  }
.Ltmp7:
0x1cc: {  	v7 =	vadd.f32 v10, v7;
	v10 =	vmul.f32 v9, v12;
	v9 =	vld [tilespmem:s18+$0x2250];
	(pc) =	sbr.rel @p0 .LBB2_16-.Ltmp7, $4  }
0x1cd: {  	v11 =	vld [tilespmem:s18+$0xE250]  }
0x1ce: {  	v5 =	vadd.f32 v10, v5;
	v14 =	vmul.f32 v8, v14;
	v10 =	vld [tilespmem:s18+$0x2260]  }
0x1cf: {  	v12 =	vld [tilespmem:s18+$0xE260];
	s18 =	sshra.s32 s19, $0x2  }
0x1d0: {  	s19 =	sadd.s32 $0x200, s19;
	v8 =	vld [tilespmem:s18+$0x2270];
	v4 =	vadd.f32 v14, v4;
	v13 =	vmul.f32 v15, v13  }
0x1d1: {  	v14 =	vld [tilespmem:s18+$0x2200]  }
0x1d2: {  	v15 =	vld [tilespmem:s18+$0xE200]  }
0x1d3: {  	v16 =	vld [tilespmem:s18+$0x2210]  }
0x1d4: {  	v17 =	vld [tilespmem:s18+$0xE210]  }
0x1d5: {  	v18 =	vld [tilespmem:s18+$0x2220]  }
0x1d6: {  	v19 =	vld [tilespmem:s18+$0xE220]  }
0x1d7: {  	v20 =	vld [tilespmem:s18+$0x2230]  }
0x1d8: {  	v21 =	vld [tilespmem:s18+$0xE230]  }
0x1d9: {  	v50 =	vld [tilespmem:s18+$0x2240];
	v14 =	vmul.f32 v15, v14;
	v49 =	vmul.f32 v17, v16  }
0x1da: {  	v51 =	vld [tilespmem:s18+$0xE240]  }
0x1db: {  	v53 =	vld [tilespmem:s18+$0x2250];
	v52 =	vmul.f32 v19, v18;
	v6 =	vadd.f32 v14, v6;
	v7 =	vadd.f32 v49, v7  }
0x1dc: {  	v54 =	vld [tilespmem:s18+$0xE250]  }
0x1dd: {  	v56 =	vld [tilespmem:s18+$0x2260];
	v55 =	vmul.f32 v21, v20;
	v5 =	vadd.f32 v52, v5;
	v6 =	vadd.f32 v7, v6  }
0x1de: {  	v57 =	vld [tilespmem:s18+$0xE260];
	v3 =	vadd.f32 v13, v3;
	v9 =	vmul.f32 v11, v9  }
0x1df: {  	v58 =	vmul.f32 v51, v50;
	v4 =	vadd.f32 v55, v4;
	v5 =	vadd.f32 v5, v6  }
0x1e0: {  	v59 =	vld [tilespmem:s18+$0xE270];
	v2 =	vadd.f32 v9, v2;
	v60 =	vmul.f32 v12, v10  }
0x1e1: {  	v61 =	vmul.f32 v54, v53;
	v3 =	vadd.f32 v58, v3;
	v4 =	vadd.f32 v4, v5  }
0x1e2: {  	v1 =	vadd.f32 v60, v1  }
0x1e3: {  	v62 =	vmul.f32 v57, v56;
	v2 =	vadd.f32 v61, v2;
	v3 =	vadd.f32 v3, v4;
	_ =	sdelay $0x1  }
0x1e4: {  	v63 =	vmul.f32 v59, v8;
	v1 =	vadd.f32 v62, v1;
	v2 =	vadd.f32 v2, v3;
	_ =	sdelay $0x1  }
0x1e5: {  	v0 =	vadd.f32 v63, v0;
	v1 =	vadd.f32 v1, v2;
	_ =	sdelay $0x1  }
0x1e6: {  	s17 =	sadd.s32 $0x1, s17;
	v0 =	vadd.f32 v0, v1  }
0x1e7: {  	p0 =	sne.s32 s17, s14  }
.Ltmp8:
0x1e8: {  	s19 =	simm.s32 $0x18200;
	[tilespmem:$0x18200] =	vst v0;
	(pc) =	sbr.rel @p0 .LBB2_1-.Ltmp8, $4  }
0x1e9: {  	[hbm4b:s13+s3] =	stream.linear.scatter [tilespmem:s19], [sflag:$0xD], $0x80, $0x38;
	[tilespmem:$0x18280] =	vst v63  }
0x1ea: {  	_ =	swait.ge [sflag:s15], $0x80  }
0x1eb: {  	[sflag:s15] =	ssyncset.done $0x0  }
0x1ec: {  	[sflag:s15] =	ssyncadd.s32 $0xFFFFFF80  }
0x1ed: {  	_ =	sfence.sel $0x180000  }
0x1ee: {  	[bflag:$0x0] =	sbarrier.arrive $0xFFFF  }
0x1ef: {  	_ =	strace $0x90000047  }
0x1f0: {  	s0 =	stileid.u32;
	[bflag:$0x2] =	sbarrier.arrive $0xFFFF  }
0x1f1: {  	p0 =	sne.s32 s0, $0x0;
	s0 =	rddreg [dreg:$0x4]  }
0x1f2: {  	s0 =	sadd.s32 @!p0 $0x100000, s0  }
0x1f3: {  	[sflag:s0] =	ssyncadd.tile.s32 @!p0 $0x1;
	_ =	shalt  }
.Lfunc_end2:
_tile_overlayer_lowered:
.L_overlay_start_2:
0x1f4: {  	(tag) =	ssettag $0x2  }
0x1f5: {  	s0 =	rddreg [dreg:$0x0];
	s2 =	stileid.u32  }
0x1f6: {  	s1 =	rddreg [dreg:$0x1];
	p0 =	sne.s32 s2, $0x0  }
0x1f7: {  	s3 =	rddreg [dreg:$0x2];
	[bflag:$0x3] =	sbarrier.arrive $0xFFFF;
	s2 =	simm.s32 @!p0 $0x1C0D  }
0x1f8: {  	[timem:s3], [sflag:s2] =	dma.local @!p0 [hbm:s0], s1  }
0x1f9: {  	s0 =	simm.s32 @!p0 $0xD  }
0x1fa: {  	_ =	swait.ge @!p0 [sflag:s0], s1  }
0x1fb: {  	s1 =	ssub.s32 @!p0 $0x0, s1;
	[sflag:s0] =	ssyncset.done @!p0 $0x0  }
0x1fc: {  	[sflag:s0] =	ssyncadd.s32 @!p0 s1  }
0x1fd: {  	[bflag:$0x3] =	sbarrier.arrive $0xFFFF  }
0x1fe: {  	_ =	shalt  }

</sc_bundles>
